<compile_context>
chip_gen: v7x
topology: tpu7x:2x2x1
jax: 0.10.2.dev20260603
libtpu: 0.0.44.dev20260713+nightly
codegen_flags: <defaults>
</compile_context>

<pallas_src>
import functools

import jax
import jax.numpy as jnp
from jax import lax
from jax.experimental import pallas as pl
from jax.experimental.pallas import tpu as pltpu
from jax.experimental.pallas import tpu_sc as plsc

N = 100000
B = 512
F = 128
C = 5000
STEPS = N // C
W = 64

NW = 32
RW = 128
RPW = 25
PW = RW * RPW
NP = NW * PW

_HI = lax.Precision.HIGHEST



def _logits_body(nf_ref, ids_row_ref, g_ref, wl_ref, bl_ref,
                 z_out_ref, m_out_ref, s_ref, m_ref, sg_ref):
    i = pl.program_id(0)

    @pl.when(i == 0)
    def _init():
        g_relu = jnp.maximum(g_ref[...], 0.0)
        w1 = wl_ref[0:1, :]
        s_ref[...] = jnp.sum(g_relu * w1, axis=1, keepdims=True)
        m_ref[...] = jnp.full((1, 1), -1e30, jnp.float32)

    chunk = nf_ref[...]
    seg_row = ids_row_ref[0]
    lo = jnp.min(seg_row)
    hi = jnp.max(seg_row)
    lo8 = jnp.minimum((lo // 8) * 8, B - W)
    narrow = (hi - lo8) < W

    @pl.when(narrow)
    def _narrow():
        rel = seg_row - lo8
        oh_t = (lax.broadcasted_iota(jnp.int32, (W, C), 0) == rel
                ).astype(jnp.float32)
        sg_ref[...] = jnp.sum(oh_t * s_ref[pl.ds(lo8, W), :], axis=0,
                              keepdims=True)
    @pl.when(jnp.logical_not(narrow))
    def _full():
        oh_t = (lax.broadcasted_iota(jnp.int32, (B, C), 0) == seg_row
                ).astype(jnp.float32)
        sg_ref[...] = jnp.sum(oh_t * s_ref[...], axis=0, keepdims=True)

    w2 = wl_ref[1:2, :]
    t = jax.lax.dot_general(w2, chunk, (((1,), (1,)), ((), ())),
                            preferred_element_type=jnp.float32)
    z = t + sg_ref[...] + bl_ref[...]
    z = jnp.where(z >= 0.0, z, 0.01 * z)
    z_out_ref[...] = z.reshape(1, 1, C)
    m_new = jnp.maximum(m_ref[...], jnp.max(z, axis=(0, 1), keepdims=True))
    m_ref[...] = m_new

    @pl.when(i == STEPS - 1)
    def _fin():
        m_out_ref[...] = m_new



def _sc_body(z_hbm, ids_hbm, m_hbm, p_hbm, dpart_hbm,
             z_v, ids_v, p_v, zero_v, m_v, d_sh):
    cid = lax.axis_index("c")
    sid = lax.axis_index("s")
    wid = sid * 2 + cid
    pltpu.sync_copy(z_hbm.at[wid], z_v)
    pltpu.sync_copy(ids_hbm.at[wid], ids_v)
    pltpu.sync_copy(m_hbm, m_v)
    mv = m_v[...]

    def _zero(k, carry):
        zero_v[pl.ds(k * 16, 16)] = jnp.zeros((16,), jnp.float32)
        return carry
    lax.fori_loop(0, B // 16, _zero, 0)

    @pl.when(sid == 0)
    def _init_shared():
        pltpu.sync_copy(zero_v, d_sh)
    plsc.subcore_barrier()

    def _row(j, carry):
        for k in range(RW // 16):
            zv = z_v[j, pl.ds(k * 16, 16)]
            p_v[j, pl.ds(k * 16, 16)] = jnp.exp(zv - mv)
        return carry
    lax.fori_loop(0, RPW, _row, 0)

    def _scat(j, carry):
        pltpu.sync_copy(p_v.at[j], d_sh.at[ids_v.at[j]], add=True)
        return carry
    lax.fori_loop(0, RPW, _scat, 0)
    plsc.subcore_barrier()

    pltpu.sync_copy(p_v, p_hbm.at[wid])

    @pl.when(sid == 0)
    def _flush():
        pltpu.sync_copy(d_sh, dpart_hbm.at[cid])


@functools.lru_cache(maxsize=1)
def _build_sc():
    mesh = plsc.VectorSubcoreMesh(core_axis_name="c", subcore_axis_name="s")
    return pl.kernel(
        _sc_body, mesh=mesh,
        out_type=[jax.ShapeDtypeStruct((NW, RPW, RW), jnp.float32),
                  jax.ShapeDtypeStruct((2, B), jnp.float32)],
        scratch_types=[pltpu.VMEM((RPW, RW), jnp.float32),
                       pltpu.VMEM((RPW, RW), jnp.int32),
                       pltpu.VMEM((RPW, RW), jnp.float32),
                       pltpu.VMEM((B,), jnp.float32),
                       pltpu.VMEM((16,), jnp.float32),
                       pltpu.VMEM_SHARED((B,), jnp.float32)])



def _pool_body(nf_ref, ids_row_ref, p_row_ref, dpart_ref, g_ref,
               wp_ref, bp_ref, wih_ref, whh_ref, bih_ref, bhh_ref,
               out_ref, v_ref):
    i = pl.program_id(0)

    @pl.when(i == 0)
    def _init():
        v_ref[...] = jnp.zeros((B, F), jnp.float32)

    chunk = nf_ref[...]
    seg_row = ids_row_ref[0]
    p_row = p_row_ref[0]
    lo = jnp.min(seg_row)
    hi = jnp.max(seg_row)
    lo8 = jnp.minimum((lo // 8) * 8, B - W)
    narrow = (hi - lo8) < W

    @pl.when(narrow)
    def _narrow():
        rel = seg_row - lo8
        oh_scaled = jnp.where(
            lax.broadcasted_iota(jnp.int32, (W, C), 0) == rel, p_row, 0.0)
        v_part = jax.lax.dot_general(
            oh_scaled, chunk, (((1,), (0,)), ((), ())),
            preferred_element_type=jnp.float32)
        v_ref[pl.ds(lo8, W), :] += v_part

    @pl.when(jnp.logical_not(narrow))
    def _full():
        oh_scaled = jnp.where(
            lax.broadcasted_iota(jnp.int32, (B, C), 0) == seg_row, p_row, 0.0)
        v_part = jax.lax.dot_general(
            oh_scaled, chunk, (((1,), (0,)), ((), ())),
            preferred_element_type=jnp.float32)
        v_ref[...] += v_part

    @pl.when(i == STEPS - 1)
    def _finish():
        d_row = jnp.sum(dpart_ref[...], axis=0, keepdims=True)
        d = d_row.reshape(B, 1)
        nonempty = (d > 0.0).astype(jnp.float32)
        d_safe = jnp.where(d > 0.0, d, 1.0)
        wmean = v_ref[...] / d_safe
        g_repr = jax.lax.dot_general(
            wmean, wp_ref[...], (((1,), (1,)), ((), ())),
            preferred_element_type=jnp.float32, precision=_HI)
        g_repr = g_repr + nonempty * bp_ref[...]
        context = jnp.where(g_repr > 0.0, g_repr, jnp.exp(g_repr) - 1.0)
        g_prev = g_ref[...]
        gi = jax.lax.dot_general(
            context, wih_ref[...], (((1,), (1,)), ((), ())),
            preferred_element_type=jnp.float32, precision=_HI) + bih_ref[...]
        gh = jax.lax.dot_general(
            g_prev, whh_ref[...], (((1,), (1,)), ((), ())),
            preferred_element_type=jnp.float32, precision=_HI) + bhh_ref[...]
        r = jax.nn.sigmoid(gi[:, 0:F] + gh[:, 0:F])
        zg = jax.nn.sigmoid(gi[:, F:2 * F] + gh[:, F:2 * F])
        n = jnp.tanh(gi[:, 2 * F:3 * F] + r * gh[:, 2 * F:3 * F])
        out_ref[...] = (1.0 - zg) * n + zg * g_prev


@jax.jit
def kernel(node_feats, g_feats, segment_ids, W_logit, b_logit,
           W_proj, b_proj, W_ih, W_hh, b_ih, b_hh):
    ids = segment_ids.astype(jnp.int32)
    ids_row = ids.reshape(STEPS, 1, C)
    wl = W_logit.reshape(2, F)
    bl = b_logit.reshape(1, 1)
    bp = b_proj.reshape(1, F)
    bih = b_ih.reshape(1, 3 * F)
    bhh = b_hh.reshape(1, 3 * F)

    const = lambda shape: pl.BlockSpec(shape, lambda i: (0,) * len(shape))

    z_arr, m_arr = pl.pallas_call(
        _logits_body,
        grid=(STEPS,),
        in_specs=[
            pl.BlockSpec((C, F), lambda i: (i, 0)),
            pl.BlockSpec((1, 1, C), lambda i: (i, 0, 0)),
            const((B, F)),
            const((2, F)),
            const((1, 1)),
        ],
        out_specs=[pl.BlockSpec((1, 1, C), lambda i: (i, 0, 0)),
                   const((1, 1))],
        out_shape=[jax.ShapeDtypeStruct((STEPS, 1, C), jnp.float32),
                   jax.ShapeDtypeStruct((1, 1), jnp.float32)],
        scratch_shapes=[
            pltpu.VMEM((B, 1), jnp.float32),
            pltpu.VMEM((1, 1), jnp.float32),
            pltpu.VMEM((1, C), jnp.float32),
        ],
        compiler_params=pltpu.CompilerParams(
            dimension_semantics=("arbitrary",)),
    )(node_feats, ids_row, g_feats, wl, bl)

    z_pad = jnp.full((NP,), -3.0e38, jnp.float32).at[:N].set(
        z_arr.reshape(N)).reshape(NW, RPW, RW)
    ids_pad = jnp.full((NP,), B - 1, jnp.int32).at[:N].set(ids
        ).reshape(NW, RPW, RW)
    m16 = jnp.broadcast_to(m_arr.reshape(1), (16,))

    p_pad, d_part = _build_sc()(z_pad, ids_pad, m16)
    p_row = p_pad.reshape(NP)[:N].reshape(STEPS, 1, C)

    return pl.pallas_call(
        _pool_body,
        grid=(STEPS,),
        in_specs=[
            pl.BlockSpec((C, F), lambda i: (i, 0)),
            pl.BlockSpec((1, 1, C), lambda i: (i, 0, 0)),
            pl.BlockSpec((1, 1, C), lambda i: (i, 0, 0)),
            const((2, B)),
            const((B, F)),
            const((F, F)),
            const((1, F)),
            const((3 * F, F)),
            const((3 * F, F)),
            const((1, 3 * F)),
            const((1, 3 * F)),
        ],
        out_specs=const((B, F)),
        out_shape=jax.ShapeDtypeStruct((B, F), jnp.float32),
        scratch_shapes=[pltpu.VMEM((B, F), jnp.float32)],
        compiler_params=pltpu.CompilerParams(
            dimension_semantics=("arbitrary",)),
    )(node_feats, ids_row, p_row, d_part, g_feats,
      W_proj, bp, W_ih, W_hh, bih, bhh)

# --- scband reference (transcript-rebuilt; emitter-appended) ---
"""Pipeline reference for scband-global-pool-55568286876341 (READ-ONLY COPY).

The authoritative reference and input builder live on the scoring server;
editing this copy changes nothing except your own understanding.
"""

import jax, jax.numpy as jnp
import numpy as np

N = 100000
B = 512
F = 128

def setup_inputs(seed: int = 0) -> dict:
    key = jax.random.key(seed)
    ks = jax.random.split(key, 10)
    node_feats = jax.random.normal(ks[0], (N, F), dtype=jnp.float32)
    g_feats = jax.random.normal(ks[1], (B, F), dtype=jnp.float32)
    segment_ids = jnp.sort(jax.random.randint(ks[2], (N,), 0, B)).astype(jnp.int64)
    W_logit = jax.random.normal(ks[3], (1, 2 * F), dtype=jnp.float32) * (1.0 / np.sqrt(2 * F))
    b_logit = jnp.zeros((1,), dtype=jnp.float32)
    W_proj = jax.random.normal(ks[4], (F, F), dtype=jnp.float32) * (1.0 / np.sqrt(F))
    b_proj = jnp.zeros((F,), dtype=jnp.float32)
    W_ih = jax.random.normal(ks[5], (3 * F, F), dtype=jnp.float32) * (1.0 / np.sqrt(F))
    W_hh = jax.random.normal(ks[6], (3 * F, F), dtype=jnp.float32) * (1.0 / np.sqrt(F))
    b_ih = jnp.zeros((3 * F,), dtype=jnp.float32)
    b_hh = jnp.zeros((3 * F,), dtype=jnp.float32)
    return {"node_feats": node_feats, "g_feats": g_feats, "segment_ids": segment_ids,
            "W_logit": W_logit, "b_logit": b_logit, "W_proj": W_proj, "b_proj": b_proj,
            "W_ih": W_ih, "W_hh": W_hh, "b_ih": b_ih, "b_hh": b_hh}

def reference(node_feats, g_feats, segment_ids, W_logit, b_logit, W_proj, b_proj, W_ih, W_hh, b_ih, b_hh):
    num_segments = g_feats.shape[0]
    # dgl.broadcast_nodes(g, F.relu(g_feats)) -> gather per node
    bcast = jnp.take(jax.nn.relu(g_feats), segment_ids, axis=0)
    z = jnp.concatenate([bcast, node_feats], axis=1) @ W_logit.T + b_logit
    z = jnp.where(z >= 0, z, 0.01 * z)  # LeakyReLU
    # dgl.softmax_nodes: segment-wise softmax over nodes
    zmax = jax.ops.segment_max(z, segment_ids, num_segments=num_segments)
    z = z - jax.lax.stop_gradient(jnp.take(zmax, segment_ids, axis=0))
    ez = jnp.exp(z)
    denom = jax.ops.segment_sum(ez, segment_ids, num_segments=num_segments)
    a = ez / jnp.take(denom, segment_ids, axis=0)
    # project_nodes (dropout = identity at eval)
    hv = node_feats @ W_proj.T + b_proj
    # dgl.sum_nodes(g, 'hv', 'a') -> weighted segment sum
    g_repr = jax.ops.segment_sum(a * hv, segment_ids, num_segments=num_segments)
    context = jax.nn.elu(g_repr)
    # GRUCell(context, g_feats)
    gi = context @ W_ih.T + b_ih
    gh = g_feats @ W_hh.T + b_hh
    i_r, i_z, i_n = jnp.split(gi, 3, axis=1)
    h_r, h_z, h_n = jnp.split(gh, 3, axis=1)
    r = jax.nn.sigmoid(i_r + h_r)
    zg = jax.nn.sigmoid(i_z + h_z)
    n = jnp.tanh(i_n + r * h_n)
    return (1.0 - zg) * n + zg * g_feats

if __name__ == "__main__":
    import jax
    _d = setup_inputs()
    print(jax.jit(kernel)(*tuple(_d.values())))

</pallas_src>

<mosaic_0001>
#map = affine_map<(d0, d1) -> (0, 0, 0)>
#map1 = affine_map<(d0, d1) -> (0)>
#map2 = affine_map<(d0, d1) -> (0, 0)>
module attributes {stable_mosaic.version = 14 : i64} {
  func.func @_sc_body(%arg0: i32, %arg1: i32, %arg2: memref<32x25x128xf32, #tpu.memory_space<hbm>>, %arg3: memref<32x25x128xi32, #tpu.memory_space<hbm>>, %arg4: memref<16xf32, #tpu.memory_space<hbm>>, %arg5: memref<32x25x128xf32, #tpu.memory_space<hbm>>, %arg6: memref<2x512xf32, #tpu.memory_space<hbm>>, %arg7: memref<25x128xf32, #tpu.memory_space<vmem>>, %arg8: memref<25x128xi32, #tpu.memory_space<vmem>>, %arg9: memref<25x128xf32, #tpu.memory_space<vmem>>, %arg10: memref<512xf32, #tpu.memory_space<vmem>>, %arg11: memref<16xf32, #tpu.memory_space<vmem>>, %arg12: memref<512xf32, #tpu.memory_space<vmem_shared>>) attributes {dimension_semantics = [#tpu.dimension_semantics<core_parallel>, #tpu.dimension_semantics<subcore_parallel>], iteration_bounds = array<i64: 2, 16>, scalar_prefetch = 0 : i64, scratch_operands = 6 : i64, tpu.core_type = #tpu.core_type<sc_vector_subcore>, window_params = [{transform_indices = #map}, {transform_indices = #map}, {transform_indices = #map1}, {transform_indices = #map}, {transform_indices = #map2}]} {
    %mul3A = arith.constant 2 : i32
    %mul3A_0 = arith.muli %arg1, %mul3A : i32
    %add3A = arith.addi %mul3A_0, %arg0 : i32
    "tpu.region"() ({
      %run_scoped3A = tpu.sem_alloc : memref<!tpu.dma_semaphore, #tpu.memory_space<semaphore_mem>>
      %dma_start3A = arith.constant 0 : i32
      %dma_start3A_28 = arith.constant 0 : i32
      %dma_start3A_29 = tpu.memref_slice %arg2[%add3A, %dma_start3A, %dma_start3A_28] : memref<32x25x128xf32, #tpu.memory_space<hbm>> -> memref<1x25x128xf32, #tpu.memory_space<hbm>>
      %dma_start3A_30 = tpu.memref_squeeze %dma_start3A_29 : memref<1x25x128xf32, #tpu.memory_space<hbm>> -> memref<25x128xf32, #tpu.memory_space<hbm>>
      %dma_start3A_31 = arith.constant 0 : i32
      %dma_start3A_32 = arith.constant 0 : i32
      %dma_start3A_33 = tpu.memref_slice %arg2[%add3A, %dma_start3A_31, %dma_start3A_32] : memref<32x25x128xf32, #tpu.memory_space<hbm>> -> memref<1x25x128xf32, #tpu.memory_space<hbm>>
      %dma_start3A_34 = tpu.memref_squeeze %dma_start3A_33 : memref<1x25x128xf32, #tpu.memory_space<hbm>> -> memref<25x128xf32, #tpu.memory_space<hbm>>
      tpu.enqueue_dma source(%dma_start3A_34 : memref<25x128xf32, #tpu.memory_space<hbm>>) target(%arg7 : memref<25x128xf32, #tpu.memory_space<vmem>>) target_semaphore(%run_scoped3A : memref<!tpu.dma_semaphore, #tpu.memory_space<semaphore_mem>>)
      %dma_wait3A = arith.constant 0 : i32
      %dma_wait3A_35 = arith.constant 0 : i32
      %dma_wait3A_36 = tpu.memref_slice %arg2[%add3A, %dma_wait3A, %dma_wait3A_35] : memref<32x25x128xf32, #tpu.memory_space<hbm>> -> memref<1x25x128xf32, #tpu.memory_space<hbm>>
      %dma_wait3A_37 = tpu.memref_squeeze %dma_wait3A_36 : memref<1x25x128xf32, #tpu.memory_space<hbm>> -> memref<25x128xf32, #tpu.memory_space<hbm>>
      %dma_wait3A_38 = arith.constant 0 : i32
      %dma_wait3A_39 = arith.constant 0 : i32
      %dma_wait3A_40 = tpu.memref_slice %arg2[%add3A, %dma_wait3A_38, %dma_wait3A_39] : memref<32x25x128xf32, #tpu.memory_space<hbm>> -> memref<1x25x128xf32, #tpu.memory_space<hbm>>
      %dma_wait3A_41 = tpu.memref_squeeze %dma_wait3A_40 : memref<1x25x128xf32, #tpu.memory_space<hbm>> -> memref<25x128xf32, #tpu.memory_space<hbm>>
      tpu.wait_dma2 semaphore(%run_scoped3A : memref<!tpu.dma_semaphore, #tpu.memory_space<semaphore_mem>>) src(%dma_wait3A_41 : memref<25x128xf32, #tpu.memory_space<hbm>>) dst(%arg7 : memref<25x128xf32, #tpu.memory_space<vmem>>)
      tpu.yield
    }) : () -> ()
    "tpu.region"() ({
      %run_scoped3A = tpu.sem_alloc : memref<!tpu.dma_semaphore, #tpu.memory_space<semaphore_mem>>
      %dma_start3A = arith.constant 0 : i32
      %dma_start3A_28 = arith.constant 0 : i32
      %dma_start3A_29 = tpu.memref_slice %arg3[%add3A, %dma_start3A, %dma_start3A_28] : memref<32x25x128xi32, #tpu.memory_space<hbm>> -> memref<1x25x128xi32, #tpu.memory_space<hbm>>
      %dma_start3A_30 = tpu.memref_squeeze %dma_start3A_29 : memref<1x25x128xi32, #tpu.memory_space<hbm>> -> memref<25x128xi32, #tpu.memory_space<hbm>>
      %dma_start3A_31 = arith.constant 0 : i32
      %dma_start3A_32 = arith.constant 0 : i32
      %dma_start3A_33 = tpu.memref_slice %arg3[%add3A, %dma_start3A_31, %dma_start3A_32] : memref<32x25x128xi32, #tpu.memory_space<hbm>> -> memref<1x25x128xi32, #tpu.memory_space<hbm>>
      %dma_start3A_34 = tpu.memref_squeeze %dma_start3A_33 : memref<1x25x128xi32, #tpu.memory_space<hbm>> -> memref<25x128xi32, #tpu.memory_space<hbm>>
      tpu.enqueue_dma source(%dma_start3A_34 : memref<25x128xi32, #tpu.memory_space<hbm>>) target(%arg8 : memref<25x128xi32, #tpu.memory_space<vmem>>) target_semaphore(%run_scoped3A : memref<!tpu.dma_semaphore, #tpu.memory_space<semaphore_mem>>)
      %dma_wait3A = arith.constant 0 : i32
      %dma_wait3A_35 = arith.constant 0 : i32
      %dma_wait3A_36 = tpu.memref_slice %arg3[%add3A, %dma_wait3A, %dma_wait3A_35] : memref<32x25x128xi32, #tpu.memory_space<hbm>> -> memref<1x25x128xi32, #tpu.memory_space<hbm>>
      %dma_wait3A_37 = tpu.memref_squeeze %dma_wait3A_36 : memref<1x25x128xi32, #tpu.memory_space<hbm>> -> memref<25x128xi32, #tpu.memory_space<hbm>>
      %dma_wait3A_38 = arith.constant 0 : i32
      %dma_wait3A_39 = arith.constant 0 : i32
      %dma_wait3A_40 = tpu.memref_slice %arg3[%add3A, %dma_wait3A_38, %dma_wait3A_39] : memref<32x25x128xi32, #tpu.memory_space<hbm>> -> memref<1x25x128xi32, #tpu.memory_space<hbm>>
      %dma_wait3A_41 = tpu.memref_squeeze %dma_wait3A_40 : memref<1x25x128xi32, #tpu.memory_space<hbm>> -> memref<25x128xi32, #tpu.memory_space<hbm>>
      tpu.wait_dma2 semaphore(%run_scoped3A : memref<!tpu.dma_semaphore, #tpu.memory_space<semaphore_mem>>) src(%dma_wait3A_41 : memref<25x128xi32, #tpu.memory_space<hbm>>) dst(%arg8 : memref<25x128xi32, #tpu.memory_space<vmem>>)
      tpu.yield
    }) : () -> ()
    "tpu.region"() ({
      %run_scoped3A = tpu.sem_alloc : memref<!tpu.dma_semaphore, #tpu.memory_space<semaphore_mem>>
      tpu.enqueue_dma source(%arg4 : memref<16xf32, #tpu.memory_space<hbm>>) target(%arg11 : memref<16xf32, #tpu.memory_space<vmem>>) target_semaphore(%run_scoped3A : memref<!tpu.dma_semaphore, #tpu.memory_space<semaphore_mem>>)
      tpu.wait_dma2 semaphore(%run_scoped3A : memref<!tpu.dma_semaphore, #tpu.memory_space<semaphore_mem>>) src(%arg4 : memref<16xf32, #tpu.memory_space<hbm>>) dst(%arg11 : memref<16xf32, #tpu.memory_space<vmem>>)
      tpu.yield
    }) : () -> ()
    %get3A = arith.constant 0 : index
    %get3A_1 = tpu.vector_load %arg11[%get3A] {strides = array<i32>} : memref<16xf32, #tpu.memory_space<vmem>>, vector<16xf32>,
    %get3A_2 = vector.shape_cast %get3A_1 : vector<16xf32> to vector<16xf32>
    %scan3A = arith.constant 0 : i32
    %scan3A_3 = arith.constant 0 : i32
    %scan3A_4 = arith.constant 32 : i32
    %scan3A_5 = arith.addi %scan3A_3, %scan3A_4 : i32
    %scan3A_6 = arith.constant 1 : i32
    scf.for %scan3A_28 = %scan3A_3 to %scan3A_5 step %scan3A_6  : i32 {
      %broadcast_in_dim3A = arith.constant 0.000000e+00 : f32
      %broadcast_in_dim3A_29 = vector.broadcast %broadcast_in_dim3A : f32 to vector<16xf32>
      %mul3A_30 = arith.constant 16 : i32
      %mul3A_31 = arith.muli %scan3A_28, %mul3A_30 : i32
      %swap3A = arith.index_cast %mul3A_31 : i32 to index
      %swap3A_32 = tpu.vector_load %arg10[%swap3A] {strides = array<i32>} : memref<512xf32, #tpu.memory_space<vmem>>, vector<16xf32>,
      %swap3A_33 = vector.shape_cast %swap3A_32 : vector<16xf32> to vector<16xf32>
      %swap3A_34 = vector.shape_cast %broadcast_in_dim3A_29 : vector<16xf32> to vector<16xf32>
      tpu.vector_store %arg10[%swap3A], %swap3A_34 {strides = array<i32>} : memref<512xf32, #tpu.memory_space<vmem>>, vector<16xf32>,
    }
    %scan3A_7 = arith.constant 32 : i32
    %eq3A = arith.constant 0 : i32
    %eq3A_8 = arith.cmpi eq, %arg1, %eq3A : i32
    %convert_element_type3A = arith.extui %eq3A_8 : i1 to i32
    %cond3A = arith.constant 0 : i32
    %cond3A_9 = arith.cmpi ne, %convert_element_type3A, %cond3A : i32
    scf.if %cond3A_9 {
      "tpu.region"() ({
        %run_scoped3A = tpu.sem_alloc : memref<!tpu.dma_semaphore, #tpu.memory_space<semaphore_mem>>
        tpu.enqueue_dma source(%arg10 : memref<512xf32, #tpu.memory_space<vmem>>) target(%arg12 : memref<512xf32, #tpu.memory_space<vmem_shared>>) target_semaphore(%run_scoped3A : memref<!tpu.dma_semaphore, #tpu.memory_space<semaphore_mem>>)
        tpu.wait_dma2 semaphore(%run_scoped3A : memref<!tpu.dma_semaphore, #tpu.memory_space<semaphore_mem>>) src(%arg10 : memref<512xf32, #tpu.memory_space<vmem>>) dst(%arg12 : memref<512xf32, #tpu.memory_space<vmem_shared>>)
        tpu.yield
      }) : () -> ()
    } else {
    }
    %barrier3A = arith.constant 0 : index
    tpu.barrier barrier_id(%barrier3A)
    %scan3A_10 = arith.constant 0 : i32
    %scan3A_11 = arith.constant 0 : i32
    %scan3A_12 = arith.constant 25 : i32
    %scan3A_13 = arith.addi %scan3A_11, %scan3A_12 : i32
    %scan3A_14 = arith.constant 1 : i32
    scf.for %scan3A_28 = %scan3A_11 to %scan3A_13 step %scan3A_14  : i32 {
      %get3A_29 = arith.index_cast %scan3A_28 : i32 to index
      %get3A_30 = arith.constant 0 : index
      %get3A_31 = tpu.vector_load %arg7[%get3A_29, %get3A_30] {strides = array<i32>} : memref<25x128xf32, #tpu.memory_space<vmem>>, vector<1x16xf32>,
      %get3A_32 = vector.shape_cast %get3A_31 : vector<1x16xf32> to vector<16xf32>
      %sub3A = arith.subf %get3A_32, %get3A_2 : vector<16xf32>
      %exp3A = math.exp %sub3A : vector<16xf32>
      %swap3A = arith.index_cast %scan3A_28 : i32 to index
      %swap3A_33 = arith.constant 0 : index
      %swap3A_34 = tpu.vector_load %arg9[%swap3A, %swap3A_33] {strides = array<i32>} : memref<25x128xf32, #tpu.memory_space<vmem>>, vector<1x16xf32>,
      %swap3A_35 = vector.shape_cast %swap3A_34 : vector<1x16xf32> to vector<16xf32>
      %swap3A_36 = vector.shape_cast %exp3A : vector<16xf32> to vector<1x16xf32>
      tpu.vector_store %arg9[%swap3A, %swap3A_33], %swap3A_36 {strides = array<i32>} : memref<25x128xf32, #tpu.memory_space<vmem>>, vector<1x16xf32>,
      %get3A_37 = arith.index_cast %scan3A_28 : i32 to index
      %get3A_38 = arith.constant 16 : index
      %get3A_39 = tpu.vector_load %arg7[%get3A_37, %get3A_38] {strides = array<i32>} : memref<25x128xf32, #tpu.memory_space<vmem>>, vector<1x16xf32>,
      %get3A_40 = vector.shape_cast %get3A_39 : vector<1x16xf32> to vector<16xf32>
      %sub3A_41 = arith.subf %get3A_40, %get3A_2 : vector<16xf32>
      %exp3A_42 = math.exp %sub3A_41 : vector<16xf32>
      %swap3A_43 = arith.index_cast %scan3A_28 : i32 to index
      %swap3A_44 = arith.constant 16 : index
      %swap3A_45 = tpu.vector_load %arg9[%swap3A_43, %swap3A_44] {strides = array<i32>} : memref<25x128xf32, #tpu.memory_space<vmem>>, vector<1x16xf32>,
      %swap3A_46 = vector.shape_cast %swap3A_45 : vector<1x16xf32> to vector<16xf32>
      %swap3A_47 = vector.shape_cast %exp3A_42 : vector<16xf32> to vector<1x16xf32>
      tpu.vector_store %arg9[%swap3A_43, %swap3A_44], %swap3A_47 {strides = array<i32>} : memref<25x128xf32, #tpu.memory_space<vmem>>, vector<1x16xf32>,
      %get3A_48 = arith.index_cast %scan3A_28 : i32 to index
      %get3A_49 = arith.constant 32 : index
      %get3A_50 = tpu.vector_load %arg7[%get3A_48, %get3A_49] {strides = array<i32>} : memref<25x128xf32, #tpu.memory_space<vmem>>, vector<1x16xf32>,
      %get3A_51 = vector.shape_cast %get3A_50 : vector<1x16xf32> to vector<16xf32>
      %sub3A_52 = arith.subf %get3A_51, %get3A_2 : vector<16xf32>
      %exp3A_53 = math.exp %sub3A_52 : vector<16xf32>
      %swap3A_54 = arith.index_cast %scan3A_28 : i32 to index
      %swap3A_55 = arith.constant 32 : index
      %swap3A_56 = tpu.vector_load %arg9[%swap3A_54, %swap3A_55] {strides = array<i32>} : memref<25x128xf32, #tpu.memory_space<vmem>>, vector<1x16xf32>,
      %swap3A_57 = vector.shape_cast %swap3A_56 : vector<1x16xf32> to vector<16xf32>
      %swap3A_58 = vector.shape_cast %exp3A_53 : vector<16xf32> to vector<1x16xf32>
      tpu.vector_store %arg9[%swap3A_54, %swap3A_55], %swap3A_58 {strides = array<i32>} : memref<25x128xf32, #tpu.memory_space<vmem>>, vector<1x16xf32>,
      %get3A_59 = arith.index_cast %scan3A_28 : i32 to index
      %get3A_60 = arith.constant 48 : index
      %get3A_61 = tpu.vector_load %arg7[%get3A_59, %get3A_60] {strides = array<i32>} : memref<25x128xf32, #tpu.memory_space<vmem>>, vector<1x16xf32>,
      %get3A_62 = vector.shape_cast %get3A_61 : vector<1x16xf32> to vector<16xf32>
      %sub3A_63 = arith.subf %get3A_62, %get3A_2 : vector<16xf32>
      %exp3A_64 = math.exp %sub3A_63 : vector<16xf32>
      %swap3A_65 = arith.index_cast %scan3A_28 : i32 to index
      %swap3A_66 = arith.constant 48 : index
      %swap3A_67 = tpu.vector_load %arg9[%swap3A_65, %swap3A_66] {strides = array<i32>} : memref<25x128xf32, #tpu.memory_space<vmem>>, vector<1x16xf32>,
      %swap3A_68 = vector.shape_cast %swap3A_67 : vector<1x16xf32> to vector<16xf32>
      %swap3A_69 = vector.shape_cast %exp3A_64 : vector<16xf32> to vector<1x16xf32>
      tpu.vector_store %arg9[%swap3A_65, %swap3A_66], %swap3A_69 {strides = array<i32>} : memref<25x128xf32, #tpu.memory_space<vmem>>, vector<1x16xf32>,
      %get3A_70 = arith.index_cast %scan3A_28 : i32 to index
      %get3A_71 = arith.constant 64 : index
      %get3A_72 = tpu.vector_load %arg7[%get3A_70, %get3A_71] {strides = array<i32>} : memref<25x128xf32, #tpu.memory_space<vmem>>, vector<1x16xf32>,
      %get3A_73 = vector.shape_cast %get3A_72 : vector<1x16xf32> to vector<16xf32>
      %sub3A_74 = arith.subf %get3A_73, %get3A_2 : vector<16xf32>
      %exp3A_75 = math.exp %sub3A_74 : vector<16xf32>
      %swap3A_76 = arith.index_cast %scan3A_28 : i32 to index
      %swap3A_77 = arith.constant 64 : index
      %swap3A_78 = tpu.vector_load %arg9[%swap3A_76, %swap3A_77] {strides = array<i32>} : memref<25x128xf32, #tpu.memory_space<vmem>>, vector<1x16xf32>,
      %swap3A_79 = vector.shape_cast %swap3A_78 : vector<1x16xf32> to vector<16xf32>
      %swap3A_80 = vector.shape_cast %exp3A_75 : vector<16xf32> to vector<1x16xf32>
      tpu.vector_store %arg9[%swap3A_76, %swap3A_77], %swap3A_80 {strides = array<i32>} : memref<25x128xf32, #tpu.memory_space<vmem>>, vector<1x16xf32>,
      %get3A_81 = arith.index_cast %scan3A_28 : i32 to index
      %get3A_82 = arith.constant 80 : index
      %get3A_83 = tpu.vector_load %arg7[%get3A_81, %get3A_82] {strides = array<i32>} : memref<25x128xf32, #tpu.memory_space<vmem>>, vector<1x16xf32>,
      %get3A_84 = vector.shape_cast %get3A_83 : vector<1x16xf32> to vector<16xf32>
      %sub3A_85 = arith.subf %get3A_84, %get3A_2 : vector<16xf32>
      %exp3A_86 = math.exp %sub3A_85 : vector<16xf32>
      %swap3A_87 = arith.index_cast %scan3A_28 : i32 to index
      %swap3A_88 = arith.constant 80 : index
      %swap3A_89 = tpu.vector_load %arg9[%swap3A_87, %swap3A_88] {strides = array<i32>} : memref<25x128xf32, #tpu.memory_space<vmem>>, vector<1x16xf32>,
      %swap3A_90 = vector.shape_cast %swap3A_89 : vector<1x16xf32> to vector<16xf32>
      %swap3A_91 = vector.shape_cast %exp3A_86 : vector<16xf32> to vector<1x16xf32>
      tpu.vector_store %arg9[%swap3A_87, %swap3A_88], %swap3A_91 {strides = array<i32>} : memref<25x128xf32, #tpu.memory_space<vmem>>, vector<1x16xf32>,
      %get3A_92 = arith.index_cast %scan3A_28 : i32 to index
      %get3A_93 = arith.constant 96 : index
      %get3A_94 = tpu.vector_load %arg7[%get3A_92, %get3A_93] {strides = array<i32>} : memref<25x128xf32, #tpu.memory_space<vmem>>, vector<1x16xf32>,
      %get3A_95 = vector.shape_cast %get3A_94 : vector<1x16xf32> to vector<16xf32>
      %sub3A_96 = arith.subf %get3A_95, %get3A_2 : vector<16xf32>
      %exp3A_97 = math.exp %sub3A_96 : vector<16xf32>
      %swap3A_98 = arith.index_cast %scan3A_28 : i32 to index
      %swap3A_99 = arith.constant 96 : index
      %swap3A_100 = tpu.vector_load %arg9[%swap3A_98, %swap3A_99] {strides = array<i32>} : memref<25x128xf32, #tpu.memory_space<vmem>>, vector<1x16xf32>,
      %swap3A_101 = vector.shape_cast %swap3A_100 : vector<1x16xf32> to vector<16xf32>
      %swap3A_102 = vector.shape_cast %exp3A_97 : vector<16xf32> to vector<1x16xf32>
      tpu.vector_store %arg9[%swap3A_98, %swap3A_99], %swap3A_102 {strides = array<i32>} : memref<25x128xf32, #tpu.memory_space<vmem>>, vector<1x16xf32>,
      %get3A_103 = arith.index_cast %scan3A_28 : i32 to index
      %get3A_104 = arith.constant 112 : index
      %get3A_105 = tpu.vector_load %arg7[%get3A_103, %get3A_104] {strides = array<i32>} : memref<25x128xf32, #tpu.memory_space<vmem>>, vector<1x16xf32>,
      %get3A_106 = vector.shape_cast %get3A_105 : vector<1x16xf32> to vector<16xf32>
      %sub3A_107 = arith.subf %get3A_106, %get3A_2 : vector<16xf32>
      %exp3A_108 = math.exp %sub3A_107 : vector<16xf32>
      %swap3A_109 = arith.index_cast %scan3A_28 : i32 to index
      %swap3A_110 = arith.constant 112 : index
      %swap3A_111 = tpu.vector_load %arg9[%swap3A_109, %swap3A_110] {strides = array<i32>} : memref<25x128xf32, #tpu.memory_space<vmem>>, vector<1x16xf32>,
      %swap3A_112 = vector.shape_cast %swap3A_111 : vector<1x16xf32> to vector<16xf32>
      %swap3A_113 = vector.shape_cast %exp3A_108 : vector<16xf32> to vector<1x16xf32>
      tpu.vector_store %arg9[%swap3A_109, %swap3A_110], %swap3A_113 {strides = array<i32>} : memref<25x128xf32, #tpu.memory_space<vmem>>, vector<1x16xf32>,
    }
    %scan3A_15 = arith.constant 25 : i32
    %scan3A_16 = arith.constant 0 : i32
    %scan3A_17 = arith.constant 0 : i32
    %scan3A_18 = arith.constant 25 : i32
    %scan3A_19 = arith.addi %scan3A_17, %scan3A_18 : i32
    %scan3A_20 = arith.constant 1 : i32
    scf.for %scan3A_28 = %scan3A_17 to %scan3A_19 step %scan3A_20  : i32 {
      "tpu.region"() ({
        %run_scoped3A = tpu.sem_alloc : memref<!tpu.dma_semaphore, #tpu.memory_space<semaphore_mem>>
        %dma_start3A = arith.constant 0 : i32
        %dma_start3A_29 = tpu.memref_slice %arg9[%scan3A_28, %dma_start3A] : memref<25x128xf32, #tpu.memory_space<vmem>> -> memref<1x128xf32, #tpu.memory_space<vmem>>
        %dma_start3A_30 = tpu.memref_squeeze %dma_start3A_29 : memref<1x128xf32, #tpu.memory_space<vmem>> -> memref<128xf32, #tpu.memory_space<vmem>>
        %dma_start3A_31 = arith.constant 0 : i32
        %dma_start3A_32 = tpu.memref_slice %arg8[%scan3A_28, %dma_start3A_31] : memref<25x128xi32, #tpu.memory_space<vmem>> -> memref<1x128xi32, #tpu.memory_space<vmem>>
        %dma_start3A_33 = tpu.memref_squeeze %dma_start3A_32 : memref<1x128xi32, #tpu.memory_space<vmem>> -> memref<128xi32, #tpu.memory_space<vmem>>
        %dma_start3A_34 = arith.constant 0 : i32
        %dma_start3A_35 = tpu.memref_slice %arg12[%dma_start3A_34] : memref<512xf32, #tpu.memory_space<vmem_shared>> -> memref<512xf32, #tpu.memory_space<vmem_shared>>
        tpu.enqueue_indirect_dma source(%dma_start3A_30 : memref<128xf32, #tpu.memory_space<vmem>>) target(%dma_start3A_35 : memref<512xf32, #tpu.memory_space<vmem_shared>>) offsets(%dma_start3A_33 : memref<128xi32, #tpu.memory_space<vmem>>) semaphore(%run_scoped3A : memref<!tpu.dma_semaphore, #tpu.memory_space<semaphore_mem>>) {add = true}
        %dma_wait3A = arith.constant 0 : i32
        %dma_wait3A_36 = tpu.memref_slice %arg9[%scan3A_28, %dma_wait3A] : memref<25x128xf32, #tpu.memory_space<vmem>> -> memref<1x128xf32, #tpu.memory_space<vmem>>
        %dma_wait3A_37 = tpu.memref_squeeze %dma_wait3A_36 : memref<1x128xf32, #tpu.memory_space<vmem>> -> memref<128xf32, #tpu.memory_space<vmem>>
        %dma_wait3A_38 = arith.constant 0 : i32
        %dma_wait3A_39 = tpu.memref_slice %arg8[%scan3A_28, %dma_wait3A_38] : memref<25x128xi32, #tpu.memory_space<vmem>> -> memref<1x128xi32, #tpu.memory_space<vmem>>
        %dma_wait3A_40 = tpu.memref_squeeze %dma_wait3A_39 : memref<1x128xi32, #tpu.memory_space<vmem>> -> memref<128xi32, #tpu.memory_space<vmem>>
        %dma_wait3A_41 = arith.constant 0 : i32
        %dma_wait3A_42 = tpu.memref_slice %arg12[%dma_wait3A_41] : memref<512xf32, #tpu.memory_space<vmem_shared>> -> memref<512xf32, #tpu.memory_space<vmem_shared>>
        tpu.wait_indirect_dma semaphore(%run_scoped3A : memref<!tpu.dma_semaphore, #tpu.memory_space<semaphore_mem>>) src(%dma_wait3A_37 : memref<128xf32, #tpu.memory_space<vmem>>) dst(%dma_wait3A_42 : memref<512xf32, #tpu.memory_space<vmem_shared>>)
        tpu.yield
      }) : () -> ()
    }
    %scan3A_21 = arith.constant 25 : i32
    %barrier3A_22 = arith.constant 0 : index
    tpu.barrier barrier_id(%barrier3A_22)
    "tpu.region"() ({
      %run_scoped3A = tpu.sem_alloc : memref<!tpu.dma_semaphore, #tpu.memory_space<semaphore_mem>>
      %dma_start3A = arith.constant 0 : i32
      %dma_start3A_28 = arith.constant 0 : i32
      %dma_start3A_29 = tpu.memref_slice %arg5[%add3A, %dma_start3A, %dma_start3A_28] : memref<32x25x128xf32, #tpu.memory_space<hbm>> -> memref<1x25x128xf32, #tpu.memory_space<hbm>>
      %dma_start3A_30 = tpu.memref_squeeze %dma_start3A_29 : memref<1x25x128xf32, #tpu.memory_space<hbm>> -> memref<25x128xf32, #tpu.memory_space<hbm>>
      %dma_start3A_31 = arith.constant 0 : i32
      %dma_start3A_32 = arith.constant 0 : i32
      %dma_start3A_33 = tpu.memref_slice %arg5[%add3A, %dma_start3A_31, %dma_start3A_32] : memref<32x25x128xf32, #tpu.memory_space<hbm>> -> memref<1x25x128xf32, #tpu.memory_space<hbm>>
      %dma_start3A_34 = tpu.memref_squeeze %dma_start3A_33 : memref<1x25x128xf32, #tpu.memory_space<hbm>> -> memref<25x128xf32, #tpu.memory_space<hbm>>
      tpu.enqueue_dma source(%arg9 : memref<25x128xf32, #tpu.memory_space<vmem>>) target(%dma_start3A_34 : memref<25x128xf32, #tpu.memory_space<hbm>>) target_semaphore(%run_scoped3A : memref<!tpu.dma_semaphore, #tpu.memory_space<semaphore_mem>>)
      %dma_wait3A = arith.constant 0 : i32
      %dma_wait3A_35 = arith.constant 0 : i32
      %dma_wait3A_36 = tpu.memref_slice %arg5[%add3A, %dma_wait3A, %dma_wait3A_35] : memref<32x25x128xf32, #tpu.memory_space<hbm>> -> memref<1x25x128xf32, #tpu.memory_space<hbm>>
      %dma_wait3A_37 = tpu.memref_squeeze %dma_wait3A_36 : memref<1x25x128xf32, #tpu.memory_space<hbm>> -> memref<25x128xf32, #tpu.memory_space<hbm>>
      %dma_wait3A_38 = arith.constant 0 : i32
      %dma_wait3A_39 = arith.constant 0 : i32
      %dma_wait3A_40 = tpu.memref_slice %arg5[%add3A, %dma_wait3A_38, %dma_wait3A_39] : memref<32x25x128xf32, #tpu.memory_space<hbm>> -> memref<1x25x128xf32, #tpu.memory_space<hbm>>
      %dma_wait3A_41 = tpu.memref_squeeze %dma_wait3A_40 : memref<1x25x128xf32, #tpu.memory_space<hbm>> -> memref<25x128xf32, #tpu.memory_space<hbm>>
      tpu.wait_dma2 semaphore(%run_scoped3A : memref<!tpu.dma_semaphore, #tpu.memory_space<semaphore_mem>>) src(%arg9 : memref<25x128xf32, #tpu.memory_space<vmem>>) dst(%dma_wait3A_41 : memref<25x128xf32, #tpu.memory_space<hbm>>)
      tpu.yield
    }) : () -> ()
    %eq3A_23 = arith.constant 0 : i32
    %eq3A_24 = arith.cmpi eq, %arg1, %eq3A_23 : i32
    %convert_element_type3A_25 = arith.extui %eq3A_24 : i1 to i32
    %cond3A_26 = arith.constant 0 : i32
    %cond3A_27 = arith.cmpi ne, %convert_element_type3A_25, %cond3A_26 : i32
    scf.if %cond3A_27 {
      "tpu.region"() ({
        %run_scoped3A = tpu.sem_alloc : memref<!tpu.dma_semaphore, #tpu.memory_space<semaphore_mem>>
        %dma_start3A = arith.constant 0 : i32
        %dma_start3A_28 = tpu.memref_slice %arg6[%arg0, %dma_start3A] : memref<2x512xf32, #tpu.memory_space<hbm>> -> memref<1x512xf32, #tpu.memory_space<hbm>>
        %dma_start3A_29 = tpu.memref_squeeze %dma_start3A_28 : memref<1x512xf32, #tpu.memory_space<hbm>> -> memref<512xf32, #tpu.memory_space<hbm>>
        tpu.enqueue_dma source(%arg12 : memref<512xf32, #tpu.memory_space<vmem_shared>>) target(%dma_start3A_29 : memref<512xf32, #tpu.memory_space<hbm>>) target_semaphore(%run_scoped3A : memref<!tpu.dma_semaphore, #tpu.memory_space<semaphore_mem>>)
        %dma_wait3A = arith.constant 0 : i32
        %dma_wait3A_30 = tpu.memref_slice %arg6[%arg0, %dma_wait3A] : memref<2x512xf32, #tpu.memory_space<hbm>> -> memref<1x512xf32, #tpu.memory_space<hbm>>
        %dma_wait3A_31 = tpu.memref_squeeze %dma_wait3A_30 : memref<1x512xf32, #tpu.memory_space<hbm>> -> memref<512xf32, #tpu.memory_space<hbm>>
        tpu.wait_dma2 semaphore(%run_scoped3A : memref<!tpu.dma_semaphore, #tpu.memory_space<semaphore_mem>>) src(%arg12 : memref<512xf32, #tpu.memory_space<vmem_shared>>) dst(%dma_wait3A_31 : memref<512xf32, #tpu.memory_space<hbm>>)
        tpu.yield
      }) : () -> ()
    } else {
    }
    return
  }
}

module attributes {stable_mosaic.version = 14 : i64} {
  func.func @_logits_body(%arg0: i32, %arg1: memref<5000x128xf32, #tpu.memory_space<vmem>>, %arg2: memref<1x1x5000xi32, #tpu.memory_space<vmem>>, %arg3: memref<512x128xf32, #tpu.memory_space<vmem>>, %arg4: memref<2x128xf32, #tpu.memory_space<vmem>>, %arg5: memref<1x1xf32, #tpu.memory_space<vmem>>, %arg6: memref<1x1x5000xf32, #tpu.memory_space<vmem>>, %arg7: memref<1x1xf32, #tpu.memory_space<vmem>>, %arg8: memref<512x1xf32, #tpu.memory_space<vmem>>, %arg9: memref<1x1xf32, #tpu.memory_space<vmem>>, %arg10: memref<1x5000xf32, #tpu.memory_space<vmem>>) attributes {dimension_semantics = [#tpu.dimension_semantics<arbitrary>], iteration_bounds = array<i64: 20>, scalar_prefetch = 0 : i64, scratch_operands = 3 : i64, tpu.core_type = #tpu.core_type<tc>, window_params = [{transform_indices = @transform_0, window_bounds = array<i64: 5000, 128>}, {transform_indices = @transform_1, window_bounds = array<i64: 1, 1, 5000>}, {pipeline_mode = #tpu.pipeline_mode<synchronous>, transform_indices = @transform_2, window_bounds = array<i64: 512, 128>}, {pipeline_mode = #tpu.pipeline_mode<synchronous>, transform_indices = @transform_3, window_bounds = array<i64: 2, 128>}, {pipeline_mode = #tpu.pipeline_mode<synchronous>, transform_indices = @transform_4, window_bounds = array<i64: 1, 1>}, {transform_indices = @transform_5, window_bounds = array<i64: 1, 1, 5000>}, {pipeline_mode = #tpu.pipeline_mode<synchronous>, transform_indices = @transform_6, window_bounds = array<i64: 1, 1>}]} {
    %eq3A = arith.constant 0 : i32
    %eq3A_0 = arith.cmpi eq, %arg0, %eq3A : i32
    %convert_element_type3A = arith.extui %eq3A_0 : i1 to i32
    %cond3A = arith.constant 0 : i32
    %cond3A_1 = arith.cmpi ne, %convert_element_type3A, %cond3A : i32
    scf.if %cond3A_1 {
      %get3A_81 = arith.constant 0 : index
      %get3A_82 = arith.constant 0 : index
      %get3A_83 = vector.load %arg3[%get3A_81, %get3A_82] : memref<512x128xf32, #tpu.memory_space<vmem>>, vector<512x128xf32>
      %max3A_84 = arith.constant 0.000000e+00 : f32
      %max3A_85 = vector.broadcast %max3A_84 : f32 to vector<512x128xf32>
      %max3A_86 = arith.maximumf %get3A_83, %max3A_85 : vector<512x128xf32>
      %get3A_87 = arith.constant 0 : index
      %get3A_88 = arith.constant 0 : index
      %get3A_89 = vector.load %arg4[%get3A_87, %get3A_88] : memref<2x128xf32, #tpu.memory_space<vmem>>, vector<1x128xf32>
      %mul3A_90 = vector.broadcast %get3A_89 : vector<1x128xf32> to vector<512x128xf32>
      %mul3A_91 = arith.mulf %max3A_86, %mul3A_90 : vector<512x128xf32>
      %reduce_sum3A = arith.constant dense<0.000000e+00> : vector<512xf32>
      %reduce_sum3A_92 = vector.multi_reduction <add>, %mul3A_91, %reduce_sum3A [1] : vector<512x128xf32> to vector<512xf32>
      %broadcast_in_dim3A_93 = vector.shape_cast %reduce_sum3A_92 : vector<512xf32> to vector<512x1xf32>
      %swap3A_94 = arith.constant 0 : index
      %swap3A_95 = arith.constant 0 : index
      %swap3A_96 = vector.load %arg8[%swap3A_94, %swap3A_95] : memref<512x1xf32, #tpu.memory_space<vmem>>, vector<512x1xf32>
      tpu.vector_store %arg8[%swap3A_94, %swap3A_95], %broadcast_in_dim3A_93 {strides = array<i32>} : memref<512x1xf32, #tpu.memory_space<vmem>>, vector<512x1xf32>,
      %broadcast_in_dim3A_97 = arith.constant -1.000000e+30 : f32
      %broadcast_in_dim3A_98 = vector.broadcast %broadcast_in_dim3A_97 : f32 to vector<1x1xf32>
      %swap3A_99 = arith.constant 0 : index
      %swap3A_100 = arith.constant 0 : index
      %swap3A_101 = vector.load %arg9[%swap3A_99, %swap3A_100] : memref<1x1xf32, #tpu.memory_space<vmem>>, vector<1x1xf32>
      tpu.vector_store %arg9[%swap3A_99, %swap3A_100], %broadcast_in_dim3A_98 {strides = array<i32>} : memref<1x1xf32, #tpu.memory_space<vmem>>, vector<1x1xf32>,
    } else {
    }
    %get3A = arith.constant 0 : index
    %get3A_2 = arith.constant 0 : index
    %get3A_3 = vector.load %arg1[%get3A, %get3A_2] : memref<5000x128xf32, #tpu.memory_space<vmem>>, vector<5000x128xf32>
    %get3A_4 = arith.constant 0 : index
    %get3A_5 = arith.constant 0 : index
    %get3A_6 = arith.constant 0 : index
    %get3A_7 = vector.load %arg2[%get3A_4, %get3A_5, %get3A_6] : memref<1x1x5000xi32, #tpu.memory_space<vmem>>, vector<1x1x5000xi32>
    %get3A_8 = vector.shape_cast %get3A_7 : vector<1x1x5000xi32> to vector<1x5000xi32>
    %reduce_min3A = vector.shape_cast %get3A_8 : vector<1x5000xi32> to vector<1x1x5000xi32>
    %reduce_min3A_9 = arith.constant dense<2147483647> : vector<1xi32>
    %reduce_min3A_10 = vector.multi_reduction <minsi>, %reduce_min3A, %reduce_min3A_9 [1, 2] : vector<1x1x5000xi32> to vector<1xi32>
    %reduce_min3A_11 = vector.shape_cast %reduce_min3A_10 : vector<1xi32> to vector<1x1x1xi32>
    %reduce_min3A_12 = vector.extract %reduce_min3A_11[0, 0, 0] : i32 from vector<1x1x1xi32>
    %reduce_max3A = vector.shape_cast %get3A_8 : vector<1x5000xi32> to vector<1x1x5000xi32>
    %reduce_max3A_13 = arith.constant dense<-2147483648> : vector<1xi32>
    %reduce_max3A_14 = vector.multi_reduction <maxsi>, %reduce_max3A, %reduce_max3A_13 [1, 2] : vector<1x1x5000xi32> to vector<1xi32>
    %reduce_max3A_15 = vector.shape_cast %reduce_max3A_14 : vector<1xi32> to vector<1x1x1xi32>
    %reduce_max3A_16 = vector.extract %reduce_max3A_15[0, 0, 0] : i32 from vector<1x1x1xi32>
    %jit3A = arith.constant 8 : i32
    %div3A = arith.divsi %reduce_min3A_12, %jit3A : i32
    %sign3A = arith.constant 0 : i32
    %sign3A_17 = arith.cmpi sgt, %reduce_min3A_12, %sign3A : i32
    %sign3A_18 = arith.extui %sign3A_17 : i1 to i32
    %sign3A_19 = arith.constant 0 : i32
    %sign3A_20 = arith.cmpi slt, %reduce_min3A_12, %sign3A_19 : i32
    %sign3A_21 = arith.extui %sign3A_20 : i1 to i32
    %sign3A_22 = arith.subi %sign3A_18, %sign3A_21 : i32
    %sign3A_23 = arith.constant 0 : i32
    %sign3A_24 = arith.cmpi sgt, %jit3A, %sign3A_23 : i32
    %sign3A_25 = arith.extui %sign3A_24 : i1 to i32
    %sign3A_26 = arith.constant 0 : i32
    %sign3A_27 = arith.cmpi slt, %jit3A, %sign3A_26 : i32
    %sign3A_28 = arith.extui %sign3A_27 : i1 to i32
    %sign3A_29 = arith.subi %sign3A_25, %sign3A_28 : i32
    %ne3A = arith.cmpi ne, %sign3A_22, %sign3A_29 : i32
    %rem3A = arith.remsi %reduce_min3A_12, %jit3A : i32
    %ne3A_30 = arith.constant 0 : i32
    %ne3A_31 = arith.cmpi ne, %rem3A, %ne3A_30 : i32
    %and3A = arith.andi %ne3A, %ne3A_31 : i1
    %sub3A = arith.constant 1 : i32
    %sub3A_32 = arith.subi %div3A, %sub3A : i32
    %select_n3A = arith.select %and3A, %sub3A_32, %div3A : i32
    %mul3A = arith.constant 8 : i32
    %mul3A_33 = arith.muli %select_n3A, %mul3A : i32
    %min3A = arith.constant 448 : i32
    %min3A_34 = arith.minsi %mul3A_33, %min3A : i32
    %sub3A_35 = arith.subi %reduce_max3A_16, %min3A_34 : i32
    %lt3A = arith.constant 64 : i32
    %lt3A_36 = arith.cmpi slt, %sub3A_35, %lt3A : i32
    %convert_element_type3A_37 = arith.extui %lt3A_36 : i1 to i32
    %cond3A_38 = arith.constant 0 : i32
    %cond3A_39 = arith.cmpi ne, %convert_element_type3A_37, %cond3A_38 : i32
    scf.if %cond3A_39 {
      %sub3A_81 = vector.broadcast %min3A_34 : i32 to vector<1x5000xi32>
      %sub3A_82 = arith.subi %get3A_8, %sub3A_81 : vector<1x5000xi32>
      %iota3A = tpu.iota {dimensions = array<i32: 0>} : vector<64x5000xi32>
      %eq3A_83 = vector.broadcast %sub3A_82 : vector<1x5000xi32> to vector<64x5000xi32>
      %eq3A_84 = arith.cmpi eq, %iota3A, %eq3A_83 : vector<64x5000xi32>
      %convert_element_type3A_85 = arith.extui %eq3A_84 : vector<64x5000xi1> to vector<64x5000xi32>
      %convert_element_type3A_86 = arith.sitofp %convert_element_type3A_85 : vector<64x5000xi32> to vector<64x5000xf32>
      %get3A_87 = arith.index_cast %min3A_34 : i32 to index
      %get3A_88 = arith.constant 0 : index
      %get3A_89 = vector.load %arg8[%get3A_87, %get3A_88] : memref<512x1xf32, #tpu.memory_space<vmem>>, vector<64x1xf32>
      %mul3A_90 = vector.broadcast %get3A_89 : vector<64x1xf32> to vector<64x5000xf32>
      %mul3A_91 = arith.mulf %convert_element_type3A_86, %mul3A_90 : vector<64x5000xf32>
      %reduce_sum3A = arith.constant dense<0.000000e+00> : vector<5000xf32>
      %reduce_sum3A_92 = vector.multi_reduction <add>, %mul3A_91, %reduce_sum3A [0] : vector<64x5000xf32> to vector<5000xf32>
      %broadcast_in_dim3A_93 = vector.shape_cast %reduce_sum3A_92 : vector<5000xf32> to vector<1x5000xf32>
      %swap3A_94 = arith.constant 0 : index
      %swap3A_95 = arith.constant 0 : index
      %swap3A_96 = vector.load %arg10[%swap3A_94, %swap3A_95] : memref<1x5000xf32, #tpu.memory_space<vmem>>, vector<1x5000xf32>
      tpu.vector_store %arg10[%swap3A_94, %swap3A_95], %broadcast_in_dim3A_93 {strides = array<i32>} : memref<1x5000xf32, #tpu.memory_space<vmem>>, vector<1x5000xf32>,
    } else {
    }
    %not3A = arith.constant true
    %not3A_40 = arith.xori %lt3A_36, %not3A : i1
    %convert_element_type3A_41 = arith.extui %not3A_40 : i1 to i32
    %cond3A_42 = arith.constant 0 : i32
    %cond3A_43 = arith.cmpi ne, %convert_element_type3A_41, %cond3A_42 : i32
    scf.if %cond3A_43 {
      %iota3A = tpu.iota {dimensions = array<i32: 0>} : vector<512x5000xi32>
      %eq3A_81 = vector.broadcast %get3A_8 : vector<1x5000xi32> to vector<512x5000xi32>
      %eq3A_82 = arith.cmpi eq, %iota3A, %eq3A_81 : vector<512x5000xi32>
      %convert_element_type3A_83 = arith.extui %eq3A_82 : vector<512x5000xi1> to vector<512x5000xi32>
      %convert_element_type3A_84 = arith.sitofp %convert_element_type3A_83 : vector<512x5000xi32> to vector<512x5000xf32>
      %get3A_85 = arith.constant 0 : index
      %get3A_86 = arith.constant 0 : index
      %get3A_87 = vector.load %arg8[%get3A_85, %get3A_86] : memref<512x1xf32, #tpu.memory_space<vmem>>, vector<512x1xf32>
      %mul3A_88 = vector.broadcast %get3A_87 : vector<512x1xf32> to vector<512x5000xf32>
      %mul3A_89 = arith.mulf %convert_element_type3A_84, %mul3A_88 : vector<512x5000xf32>
      %reduce_sum3A = arith.constant dense<0.000000e+00> : vector<5000xf32>
      %reduce_sum3A_90 = vector.multi_reduction <add>, %mul3A_89, %reduce_sum3A [0] : vector<512x5000xf32> to vector<5000xf32>
      %broadcast_in_dim3A_91 = vector.shape_cast %reduce_sum3A_90 : vector<5000xf32> to vector<1x5000xf32>
      %swap3A_92 = arith.constant 0 : index
      %swap3A_93 = arith.constant 0 : index
      %swap3A_94 = vector.load %arg10[%swap3A_92, %swap3A_93] : memref<1x5000xf32, #tpu.memory_space<vmem>>, vector<1x5000xf32>
      tpu.vector_store %arg10[%swap3A_92, %swap3A_93], %broadcast_in_dim3A_91 {strides = array<i32>} : memref<1x5000xf32, #tpu.memory_space<vmem>>, vector<1x5000xf32>,
    } else {
    }
    %get3A_44 = arith.constant 1 : index
    %get3A_45 = arith.constant 0 : index
    %get3A_46 = vector.load %arg4[%get3A_44, %get3A_45] : memref<2x128xf32, #tpu.memory_space<vmem>>, vector<1x128xf32>
    %dot_general3A = arith.constant dense<0.000000e+00> : vector<1x5000xf32>
    %dot_general3A_47 = tpu.matmul %get3A_46, %get3A_3, %dot_general3A {dimension_numbers = #tpu.dot_dimension_numbers<[1], [1], [0], [0], [0, 0, 1, 0], [], []>, transpose_lhs_hint = false} : vector<1x128xf32>, vector<5000x128xf32>, vector<1x5000xf32> -> vector<1x5000xf32>
    %get3A_48 = arith.constant 0 : index
    %get3A_49 = arith.constant 0 : index
    %get3A_50 = vector.load %arg10[%get3A_48, %get3A_49] : memref<1x5000xf32, #tpu.memory_space<vmem>>, vector<1x5000xf32>
    %add3A = arith.addf %dot_general3A_47, %get3A_50 : vector<1x5000xf32>
    %get3A_51 = arith.constant 0 : index
    %get3A_52 = arith.constant 0 : index
    %get3A_53 = vector.load %arg5[%get3A_51, %get3A_52] : memref<1x1xf32, #tpu.memory_space<vmem>>, vector<1x1xf32>
    %add3A_54 = vector.broadcast %get3A_53 : vector<1x1xf32> to vector<1x5000xf32>
    %add3A_55 = arith.addf %add3A, %add3A_54 : vector<1x5000xf32>
    %ge3A = arith.constant 0.000000e+00 : f32
    %ge3A_56 = vector.broadcast %ge3A : f32 to vector<1x5000xf32>
    %ge3A_57 = arith.cmpf oge, %add3A_55, %ge3A_56 : vector<1x5000xf32>
    %mul3A_58 = arith.constant 0.00999999977 : f32
    %mul3A_59 = vector.broadcast %mul3A_58 : f32 to vector<1x5000xf32>
    %mul3A_60 = arith.mulf %mul3A_59, %add3A_55 : vector<1x5000xf32>
    %select_n3A_61 = arith.select %ge3A_57, %add3A_55, %mul3A_60 : vector<1x5000xi1>, vector<1x5000xf32>
    %reshape3A = vector.shape_cast %select_n3A_61 : vector<1x5000xf32> to vector<1x1x5000xf32>
    %swap3A = arith.constant 0 : index
    %swap3A_62 = arith.constant 0 : index
    %swap3A_63 = arith.constant 0 : index
    %swap3A_64 = vector.load %arg6[%swap3A, %swap3A_62, %swap3A_63] : memref<1x1x5000xf32, #tpu.memory_space<vmem>>, vector<1x1x5000xf32>
    tpu.vector_store %arg6[%swap3A, %swap3A_62, %swap3A_63], %reshape3A {strides = array<i32>} : memref<1x1x5000xf32, #tpu.memory_space<vmem>>, vector<1x1x5000xf32>,
    %get3A_65 = arith.constant 0 : index
    %get3A_66 = arith.constant 0 : index
    %get3A_67 = vector.load %arg9[%get3A_65, %get3A_66] : memref<1x1xf32, #tpu.memory_space<vmem>>, vector<1x1xf32>
    %reduce_max3A_68 = vector.shape_cast %select_n3A_61 : vector<1x5000xf32> to vector<1x1x5000xf32>
    %reduce_max3A_69 = arith.constant dense<0xFF800000> : vector<1xf32>
    %reduce_max3A_70 = vector.multi_reduction <maximumf>, %reduce_max3A_68, %reduce_max3A_69 [1, 2] : vector<1x1x5000xf32> to vector<1xf32>
    %reduce_max3A_71 = vector.shape_cast %reduce_max3A_70 : vector<1xf32> to vector<1x1x1xf32>
    %reduce_max3A_72 = vector.extract %reduce_max3A_71[0, 0, 0] : f32 from vector<1x1x1xf32>
    %broadcast_in_dim3A = vector.broadcast %reduce_max3A_72 : f32 to vector<1x1xf32>
    %max3A = arith.maximumf %get3A_67, %broadcast_in_dim3A : vector<1x1xf32>
    %swap3A_73 = arith.constant 0 : index
    %swap3A_74 = arith.constant 0 : index
    %swap3A_75 = vector.load %arg9[%swap3A_73, %swap3A_74] : memref<1x1xf32, #tpu.memory_space<vmem>>, vector<1x1xf32>
    tpu.vector_store %arg9[%swap3A_73, %swap3A_74], %max3A {strides = array<i32>} : memref<1x1xf32, #tpu.memory_space<vmem>>, vector<1x1xf32>,
    %eq3A_76 = arith.constant 19 : i32
    %eq3A_77 = arith.cmpi eq, %arg0, %eq3A_76 : i32
    %convert_element_type3A_78 = arith.extui %eq3A_77 : i1 to i32
    %cond3A_79 = arith.constant 0 : i32
    %cond3A_80 = arith.cmpi ne, %convert_element_type3A_78, %cond3A_79 : i32
    scf.if %cond3A_80 {
      %swap3A_81 = arith.constant 0 : index
      %swap3A_82 = arith.constant 0 : index
      %swap3A_83 = vector.load %arg7[%swap3A_81, %swap3A_82] : memref<1x1xf32, #tpu.memory_space<vmem>>, vector<1x1xf32>
      tpu.vector_store %arg7[%swap3A_81, %swap3A_82], %max3A {strides = array<i32>} : memref<1x1xf32, #tpu.memory_space<vmem>>, vector<1x1xf32>,
    } else {
    }
    return
  }
  func.func @transform_0(%arg0: i32) -> (i32, i32) {
    %c0_i32 = arith.constant 0 : i32
    %c0_i32_0 = arith.constant 0 : i32
    return %arg0, %c0_i32 : i32, i32
  }
  func.func @transform_1(%arg0: i32) -> (i32, i32, i32) {
    %c0_i32 = arith.constant 0 : i32
    %c0_i32_0 = arith.constant 0 : i32
    %c0_i32_1 = arith.constant 0 : i32
    return %arg0, %c0_i32, %c0_i32_0 : i32, i32, i32
  }
  func.func @transform_2(%arg0: i32) -> (i32, i32) {
    %c0_i32 = arith.constant 0 : i32
    %c0_i32_0 = arith.constant 0 : i32
    %c0_i32_1 = arith.constant 0 : i32
    return %c0_i32, %c0_i32_0 : i32, i32
  }
  func.func @transform_3(%arg0: i32) -> (i32, i32) {
    %c0_i32 = arith.constant 0 : i32
    %c0_i32_0 = arith.constant 0 : i32
    %c0_i32_1 = arith.constant 0 : i32
    return %c0_i32, %c0_i32_0 : i32, i32
  }
  func.func @transform_4(%arg0: i32) -> (i32, i32) {
    %c0_i32 = arith.constant 0 : i32
    %c0_i32_0 = arith.constant 0 : i32
    %c0_i32_1 = arith.constant 0 : i32
    return %c0_i32, %c0_i32_0 : i32, i32
  }
  func.func @transform_5(%arg0: i32) -> (i32, i32, i32) {
    %c0_i32 = arith.constant 0 : i32
    %c0_i32_0 = arith.constant 0 : i32
    %c0_i32_1 = arith.constant 0 : i32
    return %arg0, %c0_i32, %c0_i32_0 : i32, i32, i32
  }
  func.func @transform_6(%arg0: i32) -> (i32, i32) {
    %c0_i32 = arith.constant 0 : i32
    %c0_i32_0 = arith.constant 0 : i32
    %c0_i32_1 = arith.constant 0 : i32
    return %c0_i32, %c0_i32_0 : i32, i32
  }
}

module attributes {stable_mosaic.version = 14 : i64} {
  func.func @_pool_body(%arg0: i32, %arg1: memref<5000x128xf32, #tpu.memory_space<vmem>>, %arg2: memref<1x1x5000xi32, #tpu.memory_space<vmem>>, %arg3: memref<1x1x5000xf32, #tpu.memory_space<vmem>>, %arg4: memref<2x512xf32, #tpu.memory_space<vmem>>, %arg5: memref<512x128xf32, #tpu.memory_space<vmem>>, %arg6: memref<128x128xf32, #tpu.memory_space<vmem>>, %arg7: memref<1x128xf32, #tpu.memory_space<vmem>>, %arg8: memref<384x128xf32, #tpu.memory_space<vmem>>, %arg9: memref<384x128xf32, #tpu.memory_space<vmem>>, %arg10: memref<1x384xf32, #tpu.memory_space<vmem>>, %arg11: memref<1x384xf32, #tpu.memory_space<vmem>>, %arg12: memref<512x128xf32, #tpu.memory_space<vmem>>, %arg13: memref<512x128xf32, #tpu.memory_space<vmem>>) attributes {dimension_semantics = [#tpu.dimension_semantics<arbitrary>], iteration_bounds = array<i64: 20>, scalar_prefetch = 0 : i64, scratch_operands = 1 : i64, tpu.core_type = #tpu.core_type<tc>, window_params = [{transform_indices = @transform_0, window_bounds = array<i64: 5000, 128>}, {transform_indices = @transform_1, window_bounds = array<i64: 1, 1, 5000>}, {transform_indices = @transform_2, window_bounds = array<i64: 1, 1, 5000>}, {pipeline_mode = #tpu.pipeline_mode<synchronous>, transform_indices = @transform_3, window_bounds = array<i64: 2, 512>}, {pipeline_mode = #tpu.pipeline_mode<synchronous>, transform_indices = @transform_4, window_bounds = array<i64: 512, 128>}, {pipeline_mode = #tpu.pipeline_mode<synchronous>, transform_indices = @transform_5, window_bounds = array<i64: 128, 128>}, {pipeline_mode = #tpu.pipeline_mode<synchronous>, transform_indices = @transform_6, window_bounds = array<i64: 1, 128>}, {pipeline_mode = #tpu.pipeline_mode<synchronous>, transform_indices = @transform_7, window_bounds = array<i64: 384, 128>}, {pipeline_mode = #tpu.pipeline_mode<synchronous>, transform_indices = @transform_8, window_bounds = array<i64: 384, 128>}, {pipeline_mode = #tpu.pipeline_mode<synchronous>, transform_indices = @transform_9, window_bounds = array<i64: 1, 384>}, {pipeline_mode = #tpu.pipeline_mode<synchronous>, transform_indices = @transform_10, window_bounds = array<i64: 1, 384>}, {pipeline_mode = #tpu.pipeline_mode<synchronous>, transform_indices = @transform_11, window_bounds = array<i64: 512, 128>}]} {
    %eq3A = arith.constant 0 : i32
    %eq3A_0 = arith.cmpi eq, %arg0, %eq3A : i32
    %convert_element_type3A = arith.extui %eq3A_0 : i1 to i32
    %cond3A = arith.constant 0 : i32
    %cond3A_1 = arith.cmpi ne, %convert_element_type3A, %cond3A : i32
    scf.if %cond3A_1 {
      %broadcast_in_dim3A = arith.constant 0.000000e+00 : f32
      %broadcast_in_dim3A_54 = vector.broadcast %broadcast_in_dim3A : f32 to vector<512x128xf32>
      %swap3A = arith.constant 0 : index
      %swap3A_55 = arith.constant 0 : index
      %swap3A_56 = vector.load %arg13[%swap3A, %swap3A_55] : memref<512x128xf32, #tpu.memory_space<vmem>>, vector<512x128xf32>
      tpu.vector_store %arg13[%swap3A, %swap3A_55], %broadcast_in_dim3A_54 {strides = array<i32>} : memref<512x128xf32, #tpu.memory_space<vmem>>, vector<512x128xf32>,
    } else {
    }
    %get3A = arith.constant 0 : index
    %get3A_2 = arith.constant 0 : index
    %get3A_3 = vector.load %arg1[%get3A, %get3A_2] : memref<5000x128xf32, #tpu.memory_space<vmem>>, vector<5000x128xf32>
    %get3A_4 = arith.constant 0 : index
    %get3A_5 = arith.constant 0 : index
    %get3A_6 = arith.constant 0 : index
    %get3A_7 = vector.load %arg2[%get3A_4, %get3A_5, %get3A_6] : memref<1x1x5000xi32, #tpu.memory_space<vmem>>, vector<1x1x5000xi32>
    %get3A_8 = vector.shape_cast %get3A_7 : vector<1x1x5000xi32> to vector<1x5000xi32>
    %get3A_9 = arith.constant 0 : index
    %get3A_10 = arith.constant 0 : index
    %get3A_11 = arith.constant 0 : index
    %get3A_12 = vector.load %arg3[%get3A_9, %get3A_10, %get3A_11] : memref<1x1x5000xf32, #tpu.memory_space<vmem>>, vector<1x1x5000xf32>
    %get3A_13 = vector.shape_cast %get3A_12 : vector<1x1x5000xf32> to vector<1x5000xf32>
    %reduce_min3A = vector.shape_cast %get3A_8 : vector<1x5000xi32> to vector<1x1x5000xi32>
    %reduce_min3A_14 = arith.constant dense<2147483647> : vector<1xi32>
    %reduce_min3A_15 = vector.multi_reduction <minsi>, %reduce_min3A, %reduce_min3A_14 [1, 2] : vector<1x1x5000xi32> to vector<1xi32>
    %reduce_min3A_16 = vector.shape_cast %reduce_min3A_15 : vector<1xi32> to vector<1x1x1xi32>
    %reduce_min3A_17 = vector.extract %reduce_min3A_16[0, 0, 0] : i32 from vector<1x1x1xi32>
    %reduce_max3A = vector.shape_cast %get3A_8 : vector<1x5000xi32> to vector<1x1x5000xi32>
    %reduce_max3A_18 = arith.constant dense<-2147483648> : vector<1xi32>
    %reduce_max3A_19 = vector.multi_reduction <maxsi>, %reduce_max3A, %reduce_max3A_18 [1, 2] : vector<1x1x5000xi32> to vector<1xi32>
    %reduce_max3A_20 = vector.shape_cast %reduce_max3A_19 : vector<1xi32> to vector<1x1x1xi32>
    %reduce_max3A_21 = vector.extract %reduce_max3A_20[0, 0, 0] : i32 from vector<1x1x1xi32>
    %jit3A = arith.constant 8 : i32
    %div3A = arith.divsi %reduce_min3A_17, %jit3A : i32
    %sign3A = arith.constant 0 : i32
    %sign3A_22 = arith.cmpi sgt, %reduce_min3A_17, %sign3A : i32
    %sign3A_23 = arith.extui %sign3A_22 : i1 to i32
    %sign3A_24 = arith.constant 0 : i32
    %sign3A_25 = arith.cmpi slt, %reduce_min3A_17, %sign3A_24 : i32
    %sign3A_26 = arith.extui %sign3A_25 : i1 to i32
    %sign3A_27 = arith.subi %sign3A_23, %sign3A_26 : i32
    %sign3A_28 = arith.constant 0 : i32
    %sign3A_29 = arith.cmpi sgt, %jit3A, %sign3A_28 : i32
    %sign3A_30 = arith.extui %sign3A_29 : i1 to i32
    %sign3A_31 = arith.constant 0 : i32
    %sign3A_32 = arith.cmpi slt, %jit3A, %sign3A_31 : i32
    %sign3A_33 = arith.extui %sign3A_32 : i1 to i32
    %sign3A_34 = arith.subi %sign3A_30, %sign3A_33 : i32
    %ne3A = arith.cmpi ne, %sign3A_27, %sign3A_34 : i32
    %rem3A = arith.remsi %reduce_min3A_17, %jit3A : i32
    %ne3A_35 = arith.constant 0 : i32
    %ne3A_36 = arith.cmpi ne, %rem3A, %ne3A_35 : i32
    %and3A = arith.andi %ne3A, %ne3A_36 : i1
    %sub3A = arith.constant 1 : i32
    %sub3A_37 = arith.subi %div3A, %sub3A : i32
    %select_n3A = arith.select %and3A, %sub3A_37, %div3A : i32
    %mul3A = arith.constant 8 : i32
    %mul3A_38 = arith.muli %select_n3A, %mul3A : i32
    %min3A = arith.constant 448 : i32
    %min3A_39 = arith.minsi %mul3A_38, %min3A : i32
    %sub3A_40 = arith.subi %reduce_max3A_21, %min3A_39 : i32
    %lt3A = arith.constant 64 : i32
    %lt3A_41 = arith.cmpi slt, %sub3A_40, %lt3A : i32
    %convert_element_type3A_42 = arith.extui %lt3A_41 : i1 to i32
    %cond3A_43 = arith.constant 0 : i32
    %cond3A_44 = arith.cmpi ne, %convert_element_type3A_42, %cond3A_43 : i32
    scf.if %cond3A_44 {
      %sub3A_54 = vector.broadcast %min3A_39 : i32 to vector<1x5000xi32>
      %sub3A_55 = arith.subi %get3A_8, %sub3A_54 : vector<1x5000xi32>
      %iota3A = tpu.iota {dimensions = array<i32: 0>} : vector<64x5000xi32>
      %eq3A_56 = vector.broadcast %sub3A_55 : vector<1x5000xi32> to vector<64x5000xi32>
      %eq3A_57 = arith.cmpi eq, %iota3A, %eq3A_56 : vector<64x5000xi32>
      %jit3A_58 = arith.constant 0.000000e+00 : f32
      %broadcast_in_dim3A = vector.shape_cast %get3A_13 : vector<1x5000xf32> to vector<1x5000xf32>
      %broadcast_in_dim3A_59 = vector.broadcast %broadcast_in_dim3A : vector<1x5000xf32> to vector<64x5000xf32>
      %broadcast_in_dim3A_60 = vector.broadcast %jit3A_58 : f32 to vector<64x5000xf32>
      %select_n3A_61 = arith.select %eq3A_57, %broadcast_in_dim3A_59, %broadcast_in_dim3A_60 : vector<64x5000xi1>, vector<64x5000xf32>
      %dot_general3A = arith.constant dense<0.000000e+00> : vector<64x128xf32>
      %dot_general3A_62 = tpu.matmul %select_n3A_61, %get3A_3, %dot_general3A {dimension_numbers = #tpu.dot_dimension_numbers<[1], [0], [0], [1], [0, 0, 1, 1], [], []>, transpose_lhs_hint = false} : vector<64x5000xf32>, vector<5000x128xf32>, vector<64x128xf32> -> vector<64x128xf32>
      %get3A_63 = arith.index_cast %min3A_39 : i32 to index
      %get3A_64 = arith.constant 0 : index
      %get3A_65 = vector.load %arg13[%get3A_63, %get3A_64] : memref<512x128xf32, #tpu.memory_space<vmem>>, vector<64x128xf32>
      %add3A = arith.addf %get3A_65, %dot_general3A_62 : vector<64x128xf32>
      %swap3A = arith.index_cast %min3A_39 : i32 to index
      %swap3A_66 = arith.constant 0 : index
      %swap3A_67 = vector.load %arg13[%swap3A, %swap3A_66] : memref<512x128xf32, #tpu.memory_space<vmem>>, vector<64x128xf32>
      tpu.vector_store %arg13[%swap3A, %swap3A_66], %add3A {strides = array<i32>} : memref<512x128xf32, #tpu.memory_space<vmem>>, vector<64x128xf32>,
    } else {
    }
    %not3A = arith.constant true
    %not3A_45 = arith.xori %lt3A_41, %not3A : i1
    %convert_element_type3A_46 = arith.extui %not3A_45 : i1 to i32
    %cond3A_47 = arith.constant 0 : i32
    %cond3A_48 = arith.cmpi ne, %convert_element_type3A_46, %cond3A_47 : i32
    scf.if %cond3A_48 {
      %iota3A = tpu.iota {dimensions = array<i32: 0>} : vector<512x5000xi32>
      %eq3A_54 = vector.broadcast %get3A_8 : vector<1x5000xi32> to vector<512x5000xi32>
      %eq3A_55 = arith.cmpi eq, %iota3A, %eq3A_54 : vector<512x5000xi32>
      %jit3A_56 = arith.constant 0.000000e+00 : f32
      %broadcast_in_dim3A = vector.shape_cast %get3A_13 : vector<1x5000xf32> to vector<1x5000xf32>
      %broadcast_in_dim3A_57 = vector.broadcast %broadcast_in_dim3A : vector<1x5000xf32> to vector<512x5000xf32>
      %broadcast_in_dim3A_58 = vector.broadcast %jit3A_56 : f32 to vector<512x5000xf32>
      %select_n3A_59 = arith.select %eq3A_55, %broadcast_in_dim3A_57, %broadcast_in_dim3A_58 : vector<512x5000xi1>, vector<512x5000xf32>
      %dot_general3A = arith.constant dense<0.000000e+00> : vector<512x128xf32>
      %dot_general3A_60 = tpu.matmul %select_n3A_59, %get3A_3, %dot_general3A {dimension_numbers = #tpu.dot_dimension_numbers<[1], [0], [0], [1], [0, 0, 1, 1], [], []>, transpose_lhs_hint = false} : vector<512x5000xf32>, vector<5000x128xf32>, vector<512x128xf32> -> vector<512x128xf32>
      %get3A_61 = arith.constant 0 : index
      %get3A_62 = arith.constant 0 : index
      %get3A_63 = vector.load %arg13[%get3A_61, %get3A_62] : memref<512x128xf32, #tpu.memory_space<vmem>>, vector<512x128xf32>
      %add3A = arith.addf %get3A_63, %dot_general3A_60 : vector<512x128xf32>
      %swap3A = arith.constant 0 : index
      %swap3A_64 = arith.constant 0 : index
      %swap3A_65 = vector.load %arg13[%swap3A, %swap3A_64] : memref<512x128xf32, #tpu.memory_space<vmem>>, vector<512x128xf32>
      tpu.vector_store %arg13[%swap3A, %swap3A_64], %add3A {strides = array<i32>} : memref<512x128xf32, #tpu.memory_space<vmem>>, vector<512x128xf32>,
    } else {
    }
    %eq3A_49 = arith.constant 19 : i32
    %eq3A_50 = arith.cmpi eq, %arg0, %eq3A_49 : i32
    %convert_element_type3A_51 = arith.extui %eq3A_50 : i1 to i32
    %cond3A_52 = arith.constant 0 : i32
    %cond3A_53 = arith.cmpi ne, %convert_element_type3A_51, %cond3A_52 : i32
    scf.if %cond3A_53 {
      %get3A_54 = arith.constant 0 : index
      %get3A_55 = arith.constant 0 : index
      %get3A_56 = vector.load %arg4[%get3A_54, %get3A_55] : memref<2x512xf32, #tpu.memory_space<vmem>>, vector<2x512xf32>
      %reduce_sum3A = arith.constant dense<0.000000e+00> : vector<512xf32>
      %reduce_sum3A_57 = vector.multi_reduction <add>, %get3A_56, %reduce_sum3A [0] : vector<2x512xf32> to vector<512xf32>
      %broadcast_in_dim3A = vector.shape_cast %reduce_sum3A_57 : vector<512xf32> to vector<1x512xf32>
      %reshape3A = vector.shape_cast %broadcast_in_dim3A : vector<1x512xf32> to vector<512x1xf32>
      %gt3A = arith.constant 0.000000e+00 : f32
      %gt3A_58 = vector.broadcast %gt3A : f32 to vector<512x1xf32>
      %gt3A_59 = arith.cmpf ogt, %reshape3A, %gt3A_58 : vector<512x1xf32>
      %convert_element_type3A_60 = arith.extui %gt3A_59 : vector<512x1xi1> to vector<512x1xi32>
      %convert_element_type3A_61 = arith.sitofp %convert_element_type3A_60 : vector<512x1xi32> to vector<512x1xf32>
      %gt3A_62 = arith.constant 0.000000e+00 : f32
      %gt3A_63 = vector.broadcast %gt3A_62 : f32 to vector<512x1xf32>
      %gt3A_64 = arith.cmpf ogt, %reshape3A, %gt3A_63 : vector<512x1xf32>
      %jit3A_65 = arith.constant 1.000000e+00 : f32
      %broadcast_in_dim3A_66 = vector.broadcast %jit3A_65 : f32 to vector<512x1xf32>
      %select_n3A_67 = arith.select %gt3A_64, %reshape3A, %broadcast_in_dim3A_66 : vector<512x1xi1>, vector<512x1xf32>
      %get3A_68 = arith.constant 0 : index
      %get3A_69 = arith.constant 0 : index
      %get3A_70 = vector.load %arg13[%get3A_68, %get3A_69] : memref<512x128xf32, #tpu.memory_space<vmem>>, vector<512x128xf32>
      %div3A_71 = vector.broadcast %select_n3A_67 : vector<512x1xf32> to vector<512x128xf32>
      %div3A_72 = arith.divf %get3A_70, %div3A_71 : vector<512x128xf32>
      %get3A_73 = arith.constant 0 : index
      %get3A_74 = arith.constant 0 : index
      %get3A_75 = vector.load %arg6[%get3A_73, %get3A_74] : memref<128x128xf32, #tpu.memory_space<vmem>>, vector<128x128xf32>
      %dot_general3A = arith.constant dense<0.000000e+00> : vector<512x128xf32>
      %dot_general3A_76 = tpu.matmul %div3A_72, %get3A_75, %dot_general3A {dimension_numbers = #tpu.dot_dimension_numbers<[1], [1], [0], [0], [0, 0, 1, 0], [], []>, precision = #tpu.contract_precision<fp32>, transpose_lhs_hint = false} : vector<512x128xf32>, vector<128x128xf32>, vector<512x128xf32> -> vector<512x128xf32>
      %get3A_77 = arith.constant 0 : index
      %get3A_78 = arith.constant 0 : index
      %get3A_79 = vector.load %arg7[%get3A_77, %get3A_78] : memref<1x128xf32, #tpu.memory_space<vmem>>, vector<1x128xf32>
      %mul3A_80 = vector.broadcast %convert_element_type3A_61 : vector<512x1xf32> to vector<512x128xf32>
      %mul3A_81 = vector.broadcast %get3A_79 : vector<1x128xf32> to vector<512x128xf32>
      %mul3A_82 = arith.mulf %mul3A_80, %mul3A_81 : vector<512x128xf32>
      %add3A = arith.addf %dot_general3A_76, %mul3A_82 : vector<512x128xf32>
      %gt3A_83 = arith.constant 0.000000e+00 : f32
      %gt3A_84 = vector.broadcast %gt3A_83 : f32 to vector<512x128xf32>
      %gt3A_85 = arith.cmpf ogt, %add3A, %gt3A_84 : vector<512x128xf32>
      %exp3A = math.exp %add3A : vector<512x128xf32>
      %sub3A_86 = arith.constant 1.000000e+00 : f32
      %sub3A_87 = vector.broadcast %sub3A_86 : f32 to vector<512x128xf32>
      %sub3A_88 = arith.subf %exp3A, %sub3A_87 : vector<512x128xf32>
      %select_n3A_89 = arith.select %gt3A_85, %add3A, %sub3A_88 : vector<512x128xi1>, vector<512x128xf32>
      %get3A_90 = arith.constant 0 : index
      %get3A_91 = arith.constant 0 : index
      %get3A_92 = vector.load %arg5[%get3A_90, %get3A_91] : memref<512x128xf32, #tpu.memory_space<vmem>>, vector<512x128xf32>
      %get3A_93 = arith.constant 0 : index
      %get3A_94 = arith.constant 0 : index
      %get3A_95 = vector.load %arg8[%get3A_93, %get3A_94] : memref<384x128xf32, #tpu.memory_space<vmem>>, vector<384x128xf32>
      %dot_general3A_96 = arith.constant dense<0.000000e+00> : vector<512x384xf32>
      %dot_general3A_97 = tpu.matmul %select_n3A_89, %get3A_95, %dot_general3A_96 {dimension_numbers = #tpu.dot_dimension_numbers<[1], [1], [0], [0], [0, 0, 1, 0], [], []>, precision = #tpu.contract_precision<fp32>, transpose_lhs_hint = false} : vector<512x128xf32>, vector<384x128xf32>, vector<512x384xf32> -> vector<512x384xf32>
      %get3A_98 = arith.constant 0 : index
      %get3A_99 = arith.constant 0 : index
      %get3A_100 = vector.load %arg10[%get3A_98, %get3A_99] : memref<1x384xf32, #tpu.memory_space<vmem>>, vector<1x384xf32>
      %add3A_101 = vector.broadcast %get3A_100 : vector<1x384xf32> to vector<512x384xf32>
      %add3A_102 = arith.addf %dot_general3A_97, %add3A_101 : vector<512x384xf32>
      %get3A_103 = arith.constant 0 : index
      %get3A_104 = arith.constant 0 : index
      %get3A_105 = vector.load %arg9[%get3A_103, %get3A_104] : memref<384x128xf32, #tpu.memory_space<vmem>>, vector<384x128xf32>
      %dot_general3A_106 = arith.constant dense<0.000000e+00> : vector<512x384xf32>
      %dot_general3A_107 = tpu.matmul %get3A_92, %get3A_105, %dot_general3A_106 {dimension_numbers = #tpu.dot_dimension_numbers<[1], [1], [0], [0], [0, 0, 1, 0], [], []>, precision = #tpu.contract_precision<fp32>, transpose_lhs_hint = false} : vector<512x128xf32>, vector<384x128xf32>, vector<512x384xf32> -> vector<512x384xf32>
      %get3A_108 = arith.constant 0 : index
      %get3A_109 = arith.constant 0 : index
      %get3A_110 = vector.load %arg11[%get3A_108, %get3A_109] : memref<1x384xf32, #tpu.memory_space<vmem>>, vector<1x384xf32>
      %add3A_111 = vector.broadcast %get3A_110 : vector<1x384xf32> to vector<512x384xf32>
      %add3A_112 = arith.addf %dot_general3A_107, %add3A_111 : vector<512x384xf32>
      %slice3A = vector.extract_strided_slice %add3A_102 {offsets = [0, 0], sizes = [512, 128], strides = [1, 1]} : vector<512x384xf32> to vector<512x128xf32>
      %slice3A_113 = vector.extract_strided_slice %add3A_112 {offsets = [0, 0], sizes = [512, 128], strides = [1, 1]} : vector<512x384xf32> to vector<512x128xf32>
      %add3A_114 = arith.addf %slice3A, %slice3A_113 : vector<512x128xf32>
      %logistic3A = arith.negf %add3A_114 : vector<512x128xf32>
      %logistic3A_115 = math.exp %logistic3A : vector<512x128xf32>
      %logistic3A_116 = arith.constant 1.000000e+00 : f32
      %logistic3A_117 = vector.broadcast %logistic3A_116 : f32 to vector<512x128xf32>
      %logistic3A_118 = arith.addf %logistic3A_117, %logistic3A_115 : vector<512x128xf32>
      %logistic3A_119 = arith.divf %logistic3A_117, %logistic3A_118 : vector<512x128xf32>
      %slice3A_120 = vector.extract_strided_slice %add3A_102 {offsets = [0, 128], sizes = [512, 128], strides = [1, 1]} : vector<512x384xf32> to vector<512x128xf32>
      %slice3A_121 = vector.extract_strided_slice %add3A_112 {offsets = [0, 128], sizes = [512, 128], strides = [1, 1]} : vector<512x384xf32> to vector<512x128xf32>
      %add3A_122 = arith.addf %slice3A_120, %slice3A_121 : vector<512x128xf32>
      %logistic3A_123 = arith.negf %add3A_122 : vector<512x128xf32>
      %logistic3A_124 = math.exp %logistic3A_123 : vector<512x128xf32>
      %logistic3A_125 = arith.constant 1.000000e+00 : f32
      %logistic3A_126 = vector.broadcast %logistic3A_125 : f32 to vector<512x128xf32>
      %logistic3A_127 = arith.addf %logistic3A_126, %logistic3A_124 : vector<512x128xf32>
      %logistic3A_128 = arith.divf %logistic3A_126, %logistic3A_127 : vector<512x128xf32>
      %slice3A_129 = vector.extract_strided_slice %add3A_102 {offsets = [0, 256], sizes = [512, 128], strides = [1, 1]} : vector<512x384xf32> to vector<512x128xf32>
      %slice3A_130 = vector.extract_strided_slice %add3A_112 {offsets = [0, 256], sizes = [512, 128], strides = [1, 1]} : vector<512x384xf32> to vector<512x128xf32>
      %mul3A_131 = arith.mulf %logistic3A_119, %slice3A_130 : vector<512x128xf32>
      %add3A_132 = arith.addf %slice3A_129, %mul3A_131 : vector<512x128xf32>
      %tanh3A = math.tanh %add3A_132 : vector<512x128xf32>
      %sub3A_133 = arith.constant 1.000000e+00 : f32
      %sub3A_134 = vector.broadcast %sub3A_133 : f32 to vector<512x128xf32>
      %sub3A_135 = arith.subf %sub3A_134, %logistic3A_128 : vector<512x128xf32>
      %mul3A_136 = arith.mulf %sub3A_135, %tanh3A : vector<512x128xf32>
      %mul3A_137 = arith.mulf %logistic3A_128, %get3A_92 : vector<512x128xf32>
      %add3A_138 = arith.addf %mul3A_136, %mul3A_137 : vector<512x128xf32>
      %swap3A = arith.constant 0 : index
      %swap3A_139 = arith.constant 0 : index
      %swap3A_140 = vector.load %arg12[%swap3A, %swap3A_139] : memref<512x128xf32, #tpu.memory_space<vmem>>, vector<512x128xf32>
      tpu.vector_store %arg12[%swap3A, %swap3A_139], %add3A_138 {strides = array<i32>} : memref<512x128xf32, #tpu.memory_space<vmem>>, vector<512x128xf32>,
    } else {
    }
    return
  }
  func.func @transform_0(%arg0: i32) -> (i32, i32) {
    %c0_i32 = arith.constant 0 : i32
    %c0_i32_0 = arith.constant 0 : i32
    return %arg0, %c0_i32 : i32, i32
  }
  func.func @transform_1(%arg0: i32) -> (i32, i32, i32) {
    %c0_i32 = arith.constant 0 : i32
    %c0_i32_0 = arith.constant 0 : i32
    %c0_i32_1 = arith.constant 0 : i32
    return %arg0, %c0_i32, %c0_i32_0 : i32, i32, i32
  }
  func.func @transform_2(%arg0: i32) -> (i32, i32, i32) {
    %c0_i32 = arith.constant 0 : i32
    %c0_i32_0 = arith.constant 0 : i32
    %c0_i32_1 = arith.constant 0 : i32
    return %arg0, %c0_i32, %c0_i32_0 : i32, i32, i32
  }
  func.func @transform_3(%arg0: i32) -> (i32, i32) {
    %c0_i32 = arith.constant 0 : i32
    %c0_i32_0 = arith.constant 0 : i32
    %c0_i32_1 = arith.constant 0 : i32
    return %c0_i32, %c0_i32_0 : i32, i32
  }
  func.func @transform_4(%arg0: i32) -> (i32, i32) {
    %c0_i32 = arith.constant 0 : i32
    %c0_i32_0 = arith.constant 0 : i32
    %c0_i32_1 = arith.constant 0 : i32
    return %c0_i32, %c0_i32_0 : i32, i32
  }
  func.func @transform_5(%arg0: i32) -> (i32, i32) {
    %c0_i32 = arith.constant 0 : i32
    %c0_i32_0 = arith.constant 0 : i32
    %c0_i32_1 = arith.constant 0 : i32
    return %c0_i32, %c0_i32_0 : i32, i32
  }
  func.func @transform_6(%arg0: i32) -> (i32, i32) {
    %c0_i32 = arith.constant 0 : i32
    %c0_i32_0 = arith.constant 0 : i32
    %c0_i32_1 = arith.constant 0 : i32
    return %c0_i32, %c0_i32_0 : i32, i32
  }
  func.func @transform_7(%arg0: i32) -> (i32, i32) {
    %c0_i32 = arith.constant 0 : i32
    %c0_i32_0 = arith.constant 0 : i32
    %c0_i32_1 = arith.constant 0 : i32
    return %c0_i32, %c0_i32_0 : i32, i32
  }
  func.func @transform_8(%arg0: i32) -> (i32, i32) {
    %c0_i32 = arith.constant 0 : i32
    %c0_i32_0 = arith.constant 0 : i32
    %c0_i32_1 = arith.constant 0 : i32
    return %c0_i32, %c0_i32_0 : i32, i32
  }
  func.func @transform_9(%arg0: i32) -> (i32, i32) {
    %c0_i32 = arith.constant 0 : i32
    %c0_i32_0 = arith.constant 0 : i32
    %c0_i32_1 = arith.constant 0 : i32
    return %c0_i32, %c0_i32_0 : i32, i32
  }
  func.func @transform_10(%arg0: i32) -> (i32, i32) {
    %c0_i32 = arith.constant 0 : i32
    %c0_i32_0 = arith.constant 0 : i32
    %c0_i32_1 = arith.constant 0 : i32
    return %c0_i32, %c0_i32_0 : i32, i32
  }
  func.func @transform_11(%arg0: i32) -> (i32, i32) {
    %c0_i32 = arith.constant 0 : i32
    %c0_i32_0 = arith.constant 0 : i32
    %c0_i32_1 = arith.constant 0 : i32
    return %c0_i32, %c0_i32_0 : i32, i32
  }
}

</mosaic_0001>

<sc_bundles>
// kernel: kernel.5.cloned.1.call-start
scs
__scs_entry_jumppad:
0x0: {  	(pc) =	sbr.rel $0x88, $3  }
0x1: {  	(tag) =	ssettag $0x0;
	lr =	simm.s32 $0x1  }
0x2: {  	[smem:$0x3F96] =	sst lr;
	_ =	strace $0xD0000000  }
0x3: {  	_ = 	snop  }
0x4: {  	_ = 	snop  }
0x5: {  	_ = 	snop  }
0x6: {  	_ = 	snop  }
0x7: {  	_ = 	snop  }
__scs_overlays_trampoline_lowered:
0x8: {  	[smem:$0x3FA5] =	sst s0  }
0x9: {  	[smem:$0x3FA6] =	sst s1  }
0xa: {  	[smem:$0x3FA7] =	sst s2  }
0xb: {  	[smem:$0x3FA8] =	sst s3  }
0xc: {  	[smem:$0x3FA9] =	sst s4  }
0xd: {  	[smem:$0x3FAA] =	sst s5  }
0xe: {  	[smem:$0x3FAB] =	sst s6  }
0xf: {  	[smem:$0x3FAC] =	sst s7  }
0x10: {  	[smem:$0x3FAD] =	sst s8  }
0x11: {  	[smem:$0x3FAE] =	sst s9;
	s0 =	simm.s32 @!p0 $0x0  }
0x12: {  	s1 =	sld [smem:$0x3F94];
	s0 =	simm.s32 @p0 $0x1  }
0x13: {  	[smem:$0x3FAF] =	sst s0;
	s0 =	simm.s32 @!p1 $0x0  }
0x14: {  	s2 =	sld [smem:$0x3F93];
	s0 =	simm.s32 @p1 $0x1  }
0x15: {  	[smem:$0x3FB0] =	sst s0;
	s0 =	simm.s32 @!p2 $0x0  }
0x16: {  	s3 =	sld [smem:$0x3FDB];
	s0 =	simm.s32 @p2 $0x1  }
0x17: {  	s4 =	simm.s32 $0x1BF5;
	[smem:$0x3FB2] =	sst s0  }
0x18: {  	s0 =	sld [smem:$0x3F95];
	_ =	swait.ge [sflag:s4], $0x0  }
0x19: {  	s7 =	sld [smem:$0x3F96]  }
0x1a: {  	s8 =	sadd.s32 $0xFFFFE003, lr  }
0x1b: {  	s9 =	sadd.s32 $0xFFFFFEF7, lr;
	s5 =	simm.s32 $0xFFFFFFFF;
	p2 =	slt.u32 s8, $0xFFFFF086  }
0x1c: {  	p1 =	slt.u32 s9, $0xF7A;
	s5 =	simm.s32 @!p2 $0x0  }
0x1d: {  	s5 =	simm.s32 @p1 $0x1;
	p0 =	seq.s32 s7, s2  }
0x1e: {  	s7 =	smul.u32 @!p0 $0xF7A, s2;
	p2 =	seq.s32 @!p0 s5, $0x0  }
0x1f: {  	s9 =	smul.u32 $0xF7A, s1;
	s8 =	simm.s32 @!p0 $0x1BF5;
	p2 =	por !p2, p0  }
0x20: {  	[sflag:s8] =	ssyncset.s32 @!p0 $0xFFFFF086;
	s6 =	sadd.s32 @!p0 s3, s7;
	s7 =	simm.s32 @!p0 $0x108  }
0x21: {  	s3 =	sadd.s32 s3, s9;
	s6 =	sadd.s32 @!p0 $0x88, s6;
	s7 =	simm.s32 @p2 $0x1082  }
0x22: {  	[simem:s7], [sflag:s8] =	dma.local @!p0 [hbm:s6], $0xF7A  }
0x23: {  	s9 =	sor.u32 $0xD0000000, s2;
	s6 =	simm.s32 $0x108;
	_ =	swait.ge @!p0 [sflag:s8], $0x0  }
0x24: {  	s3 =	sadd.s32 $0x88, s3;
	s6 =	simm.s32 @!p1 $0x1082;
	[sflag:s4] =	ssyncset.s32 $0xFFFFF086  }
0x25: {  	[simem:s6], [sflag:s4] =	dma.local [hbm:s3], $0xF7A  }
0x26: {  	[smem:$0x3F96] =	sst s1;
	(tag) =	ssettag s2;
	_ =	strace s9  }
0x27: {  	s1 =	sld [smem:$0x3FA6]  }
0x28: {  	s2 =	sld [smem:$0x3FA7]  }
0x29: {  	s4 =	sld [smem:$0x3FA9]  }
0x2a: {  	p0 =	seq.s32 s5, $0x0;
	s5 =	sld [smem:$0x3FAA]  }
0x2b: {  	s6 =	sld [smem:$0x3FAB]  }
0x2c: {  	s7 =	sld [smem:$0x3FAC]  }
0x2d: {  	s3 =	simm.s32 $0x108;
	s8 =	sld [smem:$0x3FAD]  }
0x2e: {  	s3 =	simm.s32 @!p0 $0x1082;
	s9 =	sld [smem:$0x3FAE]  }
0x2f: {  	lr =	sadd.s32 s0, s3;
	s0 =	sld [smem:$0x3FA5]  }
0x30: {  	s3 =	sld [smem:$0x3FA8]  }
0x31: {  	[smem:$0x3FB1] =	sst s10  }
0x32: {  	s10 =	sld [smem:$0x3FAF];
	_ =	sdelay $0x3  }
0x33: {  	p0 =	seq.s32 s10, $0x1;
	s10 =	sld [smem:$0x3FB1];
	_ =	sdelay $0x3  }
0x34: {  	[smem:$0x3FB1] =	sst s10  }
0x35: {  	s10 =	sld [smem:$0x3FB0];
	_ =	sdelay $0x3  }
0x36: {  	p1 =	seq.s32 s10, $0x1;
	s10 =	sld [smem:$0x3FB1];
	_ =	sdelay $0x3  }
0x37: {  	[smem:$0x3FB1] =	sst s10  }
0x38: {  	s10 =	sld [smem:$0x3FB2]  }
0x39: {  	_ = 	snop;
	(pc) =	sbr.ind lr, $3  }
0x3a: {  	_ = 	snop  }
0x3b: {  	_ = 	snop  }
0x3c: {  	p2 =	seq.s32 s10, $0x1;
	s10 =	sld [smem:$0x3FB1]  }
0x3d: {  	_ =	shalt  }
0x3e: {  	_ =	shalt  }
0x3f: {  	_ =	shalt  }
0x40: {  	_ =	shalt  }
0x41: {  	_ =	shalt  }
0x42: {  	_ =	shalt  }
0x43: {  	_ =	shalt  }
0x44: {  	_ =	shalt  }
0x45: {  	_ =	shalt  }
0x46: {  	_ =	shalt  }
0x47: {  	_ =	shalt  }
0x48: {  	_ =	shalt  }
0x49: {  	_ =	shalt  }
0x4a: {  	_ =	shalt  }
0x4b: {  	_ =	shalt  }
0x4c: {  	_ =	shalt  }
0x4d: {  	_ =	shalt  }
0x4e: {  	_ =	shalt  }
0x4f: {  	_ =	shalt  }
0x50: {  	_ =	shalt  }
0x51: {  	_ =	shalt  }
0x52: {  	_ =	shalt  }
0x53: {  	_ =	shalt  }
0x54: {  	_ =	shalt  }
0x55: {  	_ =	shalt  }
0x56: {  	_ =	shalt  }
0x57: {  	_ =	shalt  }
0x58: {  	_ =	shalt  }
0x59: {  	_ =	shalt  }
0x5a: {  	_ =	shalt  }
0x5b: {  	_ =	shalt  }
0x5c: {  	_ =	shalt  }
0x5d: {  	_ =	shalt  }
0x5e: {  	_ =	shalt  }
0x5f: {  	_ =	shalt  }
0x60: {  	_ =	shalt  }
0x61: {  	_ =	shalt  }
0x62: {  	_ =	shalt  }
0x63: {  	_ =	shalt  }
0x64: {  	_ =	shalt  }
0x65: {  	_ =	shalt  }
0x66: {  	_ =	shalt  }
0x67: {  	_ =	shalt  }
0x68: {  	_ =	shalt  }
0x69: {  	_ =	shalt  }
0x6a: {  	_ =	shalt  }
0x6b: {  	_ =	shalt  }
0x6c: {  	_ =	shalt  }
0x6d: {  	_ =	shalt  }
0x6e: {  	_ =	shalt  }
0x6f: {  	_ =	shalt  }
0x70: {  	_ =	shalt  }
0x71: {  	_ =	shalt  }
0x72: {  	_ =	shalt  }
0x73: {  	_ =	shalt  }
0x74: {  	_ =	shalt  }
0x75: {  	_ =	shalt  }
0x76: {  	_ =	shalt  }
0x77: {  	_ =	shalt  }
0x78: {  	_ =	shalt  }
0x79: {  	_ =	shalt  }
0x7a: {  	_ =	shalt  }
0x7b: {  	_ =	shalt  }
0x7c: {  	_ =	shalt  }
0x7d: {  	_ =	shalt  }
0x7e: {  	_ =	shalt  }
0x7f: {  	_ =	shalt  }
0x80: {  	_ =	shalt  }
0x81: {  	_ =	shalt  }
0x82: {  	_ =	shalt  }
0x83: {  	_ =	shalt  }
0x84: {  	_ =	shalt  }
0x85: {  	_ =	shalt  }
0x86: {  	_ =	shalt  }
0x87: {  	_ =	shalt  }
.Lfunc_end0:
.L_simem_size_0:
called_computation_lowered:
.L_overlay_start_0:
0x88: {  	s2 =	sld [smem:$0x3FD9]  }
0x89: {  	s3 =	sld [smem:$0x3FFE];
	_ =	sdelay $0x1  }
0x8a: {  	s1 =	srdreg.scid  }
0x8b: {  	s0 =	sand.u32 $0x1, s1  }
0x8c: {  	s17 =	sshll.u32 s0, $0xA;
	s2 =	sadd.s32 s3, s2  }
0x8d: {  	s2 =	sadd.s32 s2, s17  }
0x8e: {  	[smem:$0x3FBD] =	sst s2  }
0x8f: {  	_ = 	snop  }
0x90: {  	s2 =	sld [smem:$0x3FD0];
	(tm) =	ssettm $0x1  }
0x91: {  	s18 =	sld [smem:$0x3FFB];
	_ =	sdelay $0x3  }
0x92: {  	_ =	strace s18  }
0x93: {  	s3 =	sld [smem:$0x3FFC];
	_ =	sdelay $0x3  }
0x94: {  	_ =	strace s3  }
0x95: {  	s3 =	sld [smem:$0x3FFD];
	_ =	sdelay $0x3  }
0x96: {  	_ =	strace s3  }
0x97: {  	_ =	strace $0x8FFFFFFF  }
0x98: {  	s19 =	sld [smem:$0x3FDB];
	_ =	sdelay $0x1  }
0x99: {  	s4 =	simm.s32 $_scs_section_size  }
0x9a: {  	s5 =	simm.s32 $_size__tile_overlayer_lowered;
	s6 =	simm.s32 $_tile_overlayer_lowered  }
0x9b: {  	s22 =	simm.s32 $0x1BFF;
	s21 =	sshll.u32 s6, $0x1;
	s3 =	sadd.s32 s4, s19  }
0x9c: {  	s7 =	simm.s32 $0x0;
	s20 =	sshll.u32 s5, $0x1;
	s5 =	sadd.s32 s21, s3  }
0x9d: {  	[timem:s7], [sflag:s22] =	dma.local [hbm:s5], s20  }
0x9e: {  	_ =	swait.ge [sflag:s22], s20  }
0x9f: {  	s4 =	ssub.s32 $0x0, s20;
	[sflag:s22] =	ssyncset.done $0x0  }
0xa0: {  	[sflag:s22] =	ssyncadd.s32 s4;
	_ =	sdelay $0x1  }
0xa1: {  	s23 =	simm.s32 $0x1B8B  }
0xa2: {  	_ =	swait.ge [sflag:s23], $0x1  }
0xa3: {  	[sflag:s23] =	ssyncset.done $0x0  }
0xa4: {  	s25 =	simm.s32 $0x1B8E;
	s24 =	sld [smem:$0x3FFE];
	[sflag:s23] =	ssyncadd.s32 $0xFFFFFFFF  }
0xa5: {  	s26 =	simm.s32 $execute0_lowered;
	[smem:$0x3FD2] =	sst s25  }
0xa6: {  	s5 =	sshll.u32 s26, $0x1;
	_ =	strace $0x80000046;
	[dreg:$0x1] =	wrdreg $0xFFFFFFFF  }
0xa7: {  	s28 =	simm.s32 $_size_execute0_lowered;
	s3 =	sadd.s32 s3, s5;
	[dreg:$0x0] =	wrdreg $0x0  }
0xa8: {  	s5 =	sshll.u32 s28, $0x1;
	[dreg:$0x2] =	wrdreg s3  }
0xa9: {  	[dreg:$0x3] =	wrdreg s5  }
0xaa: {  	[dreg:$0x4] =	wrdreg $0xC0  }
0xab: {  	_ =	task [dreg:s7], $0x5FFFF  }
0xac: {  	[dreg:$0x1] =	wrdreg $0xFFFFFFFF  }
0xad: {  	[dreg:$0x0] =	wrdreg $0x60  }
0xae: {  	[dreg:$0x2] =	wrdreg s24  }
0xaf: {  	[dreg:$0x3] =	wrdreg s2  }
0xb0: {  	[dreg:$0x4] =	wrdreg $0x32800  }
0xb1: {  	[dreg:$0x5] =	wrdreg $0x9  }
0xb2: {  	_ =	task.clear_ibuf [dreg:s7], $0x6FFFF;
	_ =	strace $0x90000046  }
0xb3: {  	s29 =	simm.s32 $0x9;
	_ =	strace $0x80000048  }
0xb4: {  	_ =	swait.ge [sflag:s29], $0x1  }
0xb5: {  	[sflag:s29] =	ssyncadd.s32 $0xFFFFFFFF  }
0xb6: {  	_ =	strace $0x90000048  }
0xb7: {  	_ =	sfence  }
0xb8: {  	s30 =	sld [smem:$0x0];
	_ =	sdelay $0x2  }
0xb9: {  	s31 =	sshll.u32 s1, $0xD;
	s1 =	sshrl.u32 s1, $0x2  }
0xba: {  	s3 =	sand.u32 $0x4000, s31;
	s1 =	sadd.s32 s1, s30  }
0xbb: {  	s0 =	sor.u32 s3, s0;
	s1 =	sshll.u32 s1, $0x11  }
0xbc: {  	s0 =	sor.u32 s1, s0  }
0xbd: {  	s0 =	sadd.s32 $0x8F2B, s0  }
0xbe: {  	[sflag:s0] =	ssyncadd.remote.s32 $0x1  }
0xbf: {  	_ =	sfence.sel $0xFFFF  }
0xc0: {  	[dreg:$0x0] =	wrdreg $0xFFFFFFFF;
	(pc) =	sbr.abs _section_cstart, $3  }
0xc1: {  	[dreg:$0x1] =	wrdreg $0xFFFFFFFF  }
0xc2: {  	_ =	task.clear_ibuf [dreg:s7], $0x2FFFF;
	_ =	strace $0x9FFFFFFF  }
0xc3: {  	(tm) =	ssettm $0x7FFFFFFF  }
tec
execute0_lowered:
.L_overlay_start_1:
0x0: {  	(tag) =	ssettag $0x1  }
0x1: {  	s4 =	rddreg [dreg:$0x0]  }
0x2: {  	s7 =	rddreg [dreg:$0x1]  }
0x3: {  	s1 =	rddreg [dreg:$0x2]  }
0x4: {  	s0 =	rddreg [dreg:$0x3];
	s3 =	srdreg.scid  }
0x5: {  	s2 =	simm.s32 $0x0;
	s9 =	stileid.u32;
	s11 =	simm.s32 $0x3200  }
0x6: {  	s12 =	simm.s32 $0x80;
	s13 =	simm.s32 $0x2000;
	s15 =	simm.s32 $0x0  }
0x7: {  	s5 =	sand.u32 $0x1, s3;
	[smem:$0x7FF] =	sst s2;
	s30 =	sshll.u32 s9, $0xA  }
0x8: {  	s3 =	sadd.s32 $0x9E00, s4;
	p0 =	sne.s32 s9, $0x0;
	s9 =	simm.s32 $0x1  }
0x9: {  	s6 =	sshll.u32 s5, $0x9;
	_ =	strace $0x80000047;
	s8 =	ssub.s32 $0x2, s5  }
0xa: {  	s10 =	sshll.u32 s5, $0x4;
	s14 =	sshrl.u32 @!p0 s1, $0x3;
	s6 =	sor.u32 s6, s30  }
0xb: {  	s31 =	sshrl.u32 s8, $0x1;
	s7 =	sadd.s32 s7, s10;
	s6 =	sadd.s32 s6, s4  }
0xc: {  	s10 =	simm.s32 $0x1000;
	s8 =	ssub.s32 s8, s31;
	s4 =	sadd.s32 $0x1E00, s6  }
0xd: {  	v0 =	vimm.f32 $0.0e+00;
	s5 =	sadd.s32 $0x5E00, s6;
	s6 =	sadd.s32 $0xA000, s6;
	s8 =	smax.u32 s8, $0x1  }
.LBB2_1:
0xe: {  	[tilespmem:s2], [sflag:$0x1] =	stream.linear.gather [hbm4b:s4+s2], $0xC80, $0x38;
	[tilespmem:$0x32A0] =	vst v63  }
0xf: {  	_ =	swait.ge [sflag:s9], $0xC80  }
0x10: {  	[sflag:s9] =	ssyncset.done $0x0  }
0x11: {  	[sflag:s9] =	ssyncadd.s32 $0xFFFFF380  }
0x12: {  	[tilespmem:s10], [sflag:$0x1] =	stream.linear.gather [hbm4b:s5+s2], $0xC80, $0x38;
	[tilespmem:$0x32A0] =	vst v63  }
0x13: {  	_ =	swait.ge [sflag:s9], $0xC80  }
0x14: {  	[sflag:s9] =	ssyncset.done $0x0  }
0x15: {  	[sflag:s9] =	ssyncadd.s32 $0xFFFFF380  }
0x16: {  	[tilespmem:s11], [sflag:$0x1] =	stream.linear.gather [hbm4b:s3+s2], $0x80, $0x38;
	[tilespmem:$0x32A0] =	vst v63  }
0x17: {  	_ =	swait.ge [sflag:s9], $0x80  }
0x18: {  	[sflag:s9] =	ssyncset.done $0x0  }
0x19: {  	[sflag:s9] =	ssyncadd.s32 $0xFFFFFF80  }
0x1a: {  	[tilespmem:$0x3000] =	vst v0  }
0x1b: {  	[tilespmem:$0x3010] =	vst v0  }
0x1c: {  	[tilespmem:$0x3020] =	vst v0  }
0x1d: {  	[tilespmem:$0x3030] =	vst v0  }
0x1e: {  	[tilespmem:$0x3040] =	vst v0  }
0x1f: {  	[tilespmem:$0x3050] =	vst v0  }
0x20: {  	[tilespmem:$0x3060] =	vst v0  }
0x21: {  	[tilespmem:$0x3070] =	vst v0  }
0x22: {  	[tilespmem:$0x3080] =	vst v0  }
0x23: {  	[tilespmem:$0x3090] =	vst v0  }
0x24: {  	[tilespmem:$0x30A0] =	vst v0  }
0x25: {  	[tilespmem:$0x30B0] =	vst v0  }
0x26: {  	[tilespmem:$0x30C0] =	vst v0  }
0x27: {  	[tilespmem:$0x30D0] =	vst v0  }
0x28: {  	[tilespmem:$0x30E0] =	vst v0  }
0x29: {  	[tilespmem:$0x30F0] =	vst v0  }
0x2a: {  	[tilespmem:$0x3100] =	vst v0  }
0x2b: {  	[tilespmem:$0x3110] =	vst v0  }
0x2c: {  	[tilespmem:$0x3120] =	vst v0  }
0x2d: {  	[tilespmem:$0x3130] =	vst v0  }
0x2e: {  	[tilespmem:$0x3140] =	vst v0  }
0x2f: {  	[tilespmem:$0x3150] =	vst v0  }
0x30: {  	[tilespmem:$0x3160] =	vst v0  }
0x31: {  	[tilespmem:$0x3170] =	vst v0  }
0x32: {  	[tilespmem:$0x3180] =	vst v0  }
0x33: {  	[tilespmem:$0x3190] =	vst v0  }
0x34: {  	[tilespmem:$0x31A0] =	vst v0  }
0x35: {  	[tilespmem:$0x31B0] =	vst v0  }
0x36: {  	[tilespmem:$0x31C0] =	vst v0  }
0x37: {  	[tilespmem:$0x31D0] =	vst v0  }
0x38: {  	[tilespmem:$0x31E0] =	vst v0  }
0x39: {  	s16 =	simm.s32 @!p0 $0x3000;
	[tilespmem:$0x31F0] =	vst v0  }
0x3a: {  	v1 =	vld [tilespmem:$0x3200];
	[spmem:s1] =	stream.linear.scatter @!p0 [tilespmem:s16], [sflag:$0x1], $0x200, $0x38  }
0x3b: {  	s16 =	simm.s32 @!p0 $0x1  }
0x3c: {  	_ =	swait.ge @!p0 [sflag:s16], $0x200  }
0x3d: {  	[sflag:s16] =	ssyncset.done @!p0 $0x0  }
0x3e: {  	[sflag:s16] =	ssyncadd.s32 @!p0 $0xFFFFFE00  }
0x3f: {  	s17 =	simm.s32 $0x0;
	[bflag:$0x0] =	sbarrier.arrive $0xFFFF  }
0x40: {  	v2 =	vld [tilespmem:s17+$0x70]  }
0x41: {  	v3 =	vld [tilespmem:s17+$0x0]  }
0x42: {  	v4 =	vld [tilespmem:s17+$0x10]  }
0x43: {  	v5 =	vld [tilespmem:s17+$0x20]  }
0x44: {  	v6 =	vld [tilespmem:s17+$0x30]  }
0x45: {  	v7 =	vld [tilespmem:s17+$0x40];
	v2 =	vsub.f32 v2, v1  }
0x46: {  	v8 =	vld [tilespmem:s17+$0x50];
	v3 =	vsub.f32 v3, v1  }
0x47: {  	v9 =	vld [tilespmem:s17+$0x60];
	v4 =	vsub.f32 v4, v1;
	v2 =	vmul.f32 $1.442695020e+00, v2  }
0x48: {  	s16 =	simm.s32 $0x80;
	v5 =	vsub.f32 v5, v1;
	v3 =	vmul.f32 $1.442695020e+00, v3  }
0x49: {  	v10 =	vld [tilespmem:s16+$0x70];
	v6 =	vsub.f32 v6, v1;
	v4 =	vmul.f32 $1.442695020e+00, v4;
	(erf) = vpow2.f32 v2  }
0x4a: {  	v7 =	vsub.f32 v7, v1;
	v5 =	vmul.f32 $1.442695020e+00, v5;
	v2 =	vld [tilespmem:s16+$0x0];
	(erf) = vpow2.f32 v3  }
0x4b: {  	v11 =	vld [tilespmem:s16+$0x10];
	v3 =	vmul.f32 $1.442695020e+00, v6;
	v6 =	vsub.f32 v8, v1;
	(erf) = vpow2.f32 v4  }
0x4c: {  	v12 =	vld [tilespmem:s16+$0x20];
	v4 =	vmul.f32 $1.442695020e+00, v7;
	v7 =	vsub.f32 v9, v1;
	(erf) = vpow2.f32 v5  }
0x4d: {  	v5 =	vld [tilespmem:s16+$0x30];
	v6 =	vmul.f32 $1.442695020e+00, v6;
	(erf) = vpow2.f32 v3  }
0x4e: {  	v8 =	vsub.f32 v10, v1;
	v3 =	vld [tilespmem:s16+$0x40];
	v9 =	vmul.f32 $1.442695020e+00, v7;
	(erf) = vpow2.f32 v4  }
0x4f: {  	v10 =	vsub.f32 v2, v1;
	v4 =	vld [tilespmem:s16+$0x50];
	(erf) = vpow2.f32 v6  }
0x50: {  	v7 =	vsub.f32 v11, v1;
	v2 =	vld [tilespmem:s16+$0x60];
	v6 =	vmul.f32 $1.442695020e+00, v8;
	(erf) = vpow2.f32 v9  }
0x51: {  	s18 =	simm.s32 $0x100;
	s19 =	simm.s32 $0x600;
	v8 =	vmul.f32 $1.442695020e+00, v10;
	v9 =	vsub.f32 v12, v1  }
.LBB2_2:
0x52: {  	p1 =	sne.s32 s19, $0x3000;
	v10 =	vld [tilespmem:s18+$0x70];
	v7 =	vmul.f32 $1.442695020e+00, v7;
	v13 =	vsub.f32 v5, v1;
	(erf) = vpow2.f32 v6;
	v6 =	vpop (erf);
	s20 =	smov.u32 s16;
	s16 =	smov.u32 s18  }
0x53: {  	v11 =	vld [tilespmem:s16+$0x0];
	v9 =	vmul.f32 $1.442695020e+00, v9;
	v14 =	vsub.f32 v3, v1;
	(erf) = vpow2.f32 v8;
	[tilespmem:s17+$0x2070] =	vst v6;
	v6 =	vpop (erf)  }
0x54: {  	v8 =	vld [tilespmem:s16+$0x10];
	v12 =	vmul.f32 $1.442695020e+00, v13;
	v15 =	vsub.f32 v4, v1;
	(erf) = vpow2.f32 v7;
	[tilespmem:s17+$0x2000] =	vst v6;
	v5 =	vpop (erf)  }
0x55: {  	v13 =	vld [tilespmem:s16+$0x20];
	v6 =	vmul.f32 $1.442695020e+00, v14;
	v14 =	vsub.f32 v2, v1;
	(erf) = vpow2.f32 v9;
	[tilespmem:s17+$0x2010] =	vst v5;
	v3 =	vpop (erf)  }
.Ltmp0:
0x56: {  	v5 =	vld [tilespmem:s16+$0x30];
	v7 =	vmul.f32 $1.442695020e+00, v15;
	(erf) = vpow2.f32 v12;
	[tilespmem:s17+$0x2020] =	vst v3;
	v4 =	vpop (erf);
	(pc) =	sbr.rel @p1 .LBB2_2-.Ltmp0, $4  }
0x57: {  	v3 =	vld [tilespmem:s16+$0x40];
	v9 =	vsub.f32 v10, v1;
	v14 =	vmul.f32 $1.442695020e+00, v14;
	(erf) = vpow2.f32 v6;
	[tilespmem:s17+$0x2030] =	vst v4;
	v2 =	vpop (erf)  }
0x58: {  	v11 =	vsub.f32 v11, v1;
	v4 =	vld [tilespmem:s16+$0x50];
	(erf) = vpow2.f32 v7;
	[tilespmem:s17+$0x2040] =	vst v2;
	v12 =	vpop (erf)  }
0x59: {  	v7 =	vsub.f32 v8, v1;
	v2 =	vld [tilespmem:s16+$0x60];
	v6 =	vmul.f32 $1.442695020e+00, v9;
	(erf) = vpow2.f32 v14;
	[tilespmem:s17+$0x2050] =	vst v12;
	v10 =	vpop (erf)  }
0x5a: {  	s18 =	sshra.s32 s19, $0x2;
	s19 =	sadd.s32 $0x200, s19;
	v8 =	vmul.f32 $1.442695020e+00, v11;
	v9 =	vsub.f32 v13, v1;
	[tilespmem:s17+$0x2060] =	vst v10;
	s17 =	smov.u32 s20  }
0x5b: {  	v10 =	vld [tilespmem:s18+$0x70];
	v11 =	vpop (erf)  }
0x5c: {  	v12 =	vld [tilespmem:s18+$0x0];
	v7 =	vmul.f32 $1.442695020e+00, v7;
	v5 =	vsub.f32 v5, v1;
	(erf) = vpow2.f32 v6;
	[tilespmem:s17+$0x2070] =	vst v11;
	v48 =	vpop (erf)  }
0x5d: {  	(erf) = vpow2.f32 v8;
	v51 =	vmul.f32 $1.442695020e+00, v9;
	v3 =	vsub.f32 v3, v1;
	v13 =	vld [tilespmem:s18+$0x10];
	[tilespmem:s17+$0x2000] =	vst v48;
	v49 =	vpop (erf)  }
0x5e: {  	v5 =	vmul.f32 $1.442695020e+00, v5;
	v4 =	vsub.f32 v4, v1;
	(erf) = vpow2.f32 v7;
	v14 =	vld [tilespmem:s18+$0x20];
	[tilespmem:s17+$0x2010] =	vst v49;
	v50 =	vpop (erf)  }
0x5f: {  	(erf) = vpow2.f32 v51;
	v3 =	vmul.f32 $1.442695020e+00, v3;
	v2 =	vsub.f32 v2, v1;
	v11 =	vld [tilespmem:s18+$0x30];
	[tilespmem:s17+$0x2020] =	vst v50;
	v52 =	vpop (erf)  }
0x60: {  	v4 =	vmul.f32 $1.442695020e+00, v4;
	(erf) = vpow2.f32 v5;
	v53 =	vld [tilespmem:s18+$0x40];
	[tilespmem:s17+$0x2030] =	vst v52;
	v54 =	vsub.f32 v10, v1;
	v55 =	vpop (erf)  }
0x61: {  	(erf) = vpow2.f32 v3;
	v2 =	vmul.f32 $1.442695020e+00, v2;
	v3 =	vsub.f32 v12, v1;
	v56 =	vld [tilespmem:s18+$0x50];
	[tilespmem:s17+$0x2040] =	vst v55  }
0x62: {  	(erf) = vpow2.f32 v4;
	v57 =	vsub.f32 v13, v1;
	v6 =	vld [tilespmem:s18+$0x60];
	v5 =	vmul.f32 $1.442695020e+00, v54  }
0x63: {  	v58 =	vpop (erf);
	(erf) = vpow2.f32 v2;
	v2 =	vmul.f32 $1.442695020e+00, v3;
	v3 =	vsub.f32 v14, v1  }
0x64: {  	v4 =	vmul.f32 $1.442695020e+00, v57;
	v60 =	vsub.f32 v11, v1  }
0x65: {  	[tilespmem:s17+$0x2050] =	vst v58;
	v59 =	vpop (erf);
	(erf) = vpow2.f32 v5;
	v3 =	vmul.f32 $1.442695020e+00, v3;
	v7 =	vsub.f32 v53, v1  }
0x66: {  	[tilespmem:s17+$0x2060] =	vst v59;
	v61 =	vpop (erf);
	(erf) = vpow2.f32 v2;
	v62 =	vmul.f32 $1.442695020e+00, v60;
	v8 =	vsub.f32 v56, v1  }
0x67: {  	[tilespmem:s16+$0x2070] =	vst v61;
	v2 =	vpop (erf);
	(erf) = vpow2.f32 v4;
	v63 =	vmul.f32 $1.442695020e+00, v7;
	v1 =	vsub.f32 v6, v1  }
0x68: {  	[tilespmem:s16+$0x2000] =	vst v2;
	v2 =	vpop (erf);
	(erf) = vpow2.f32 v3;
	v3 =	vmul.f32 $1.442695020e+00, v8  }
0x69: {  	[tilespmem:s16+$0x2010] =	vst v2;
	v2 =	vpop (erf);
	(erf) = vpow2.f32 v62;
	v1 =	vmul.f32 $1.442695020e+00, v1  }
0x6a: {  	[tilespmem:s16+$0x2020] =	vst v2;
	v2 =	vpop (erf);
	(erf) = vpow2.f32 v63  }
0x6b: {  	[tilespmem:s16+$0x2030] =	vst v2;
	v2 =	vpop (erf);
	(erf) = vpow2.f32 v3  }
0x6c: {  	[tilespmem:s16+$0x2040] =	vst v2;
	v2 =	vpop (erf);
	(erf) = vpow2.f32 v1  }
0x6d: {  	[tilespmem:s16+$0x2050] =	vst v2;
	v1 =	vpop (erf)  }
0x6e: {  	[tilespmem:s16+$0x2060] =	vst v1;
	v1 =	vpop (erf)  }
0x6f: {  	[tilespmem:s18+$0x2070] =	vst v1;
	v1 =	vpop (erf)  }
0x70: {  	[tilespmem:s18+$0x2000] =	vst v1;
	v1 =	vpop (erf)  }
0x71: {  	[tilespmem:s18+$0x2010] =	vst v1;
	v1 =	vpop (erf)  }
0x72: {  	[tilespmem:s18+$0x2020] =	vst v1;
	v1 =	vpop (erf)  }
0x73: {  	[tilespmem:s18+$0x2030] =	vst v1;
	v1 =	vpop (erf)  }
0x74: {  	[tilespmem:s18+$0x2040] =	vst v1;
	v1 =	vpop (erf)  }
0x75: {  	[tilespmem:s18+$0x2050] =	vst v1;
	v1 =	vpop (erf)  }
0x76: {  	s30 =	simm.s32 $0x2000;
	s31 =	simm.s32 $0x1000;
	[tilespmem:s18+$0x2060] =	vst v1  }
0x77: {  	[spmem:s1] =	stream.indirect.scatter.add.f32 [tilespmem:s30], [sflag:$0x1], $0x1, s31, s12, $0xb8;
	[tilespmem:$0x32A0] =	vst v63  }
0x78: {  	s16 =	simm.s32 $0x200;
	_ =	swait.ge [sflag:s9], $0x80  }
.LBB2_4:
0x79: {  	s17 =	sshra.s32 s16, $0x2  }
0x7a: {  	[sflag:s9] =	ssyncset.done $0x0;
	p1 =	sne.s32 s16, $0x3000;
	s18 =	sadd.s32 $0x2000, s17  }
.Ltmp1:
0x7b: {  	s17 =	sadd.s32 $0x1000, s17;
	[sflag:s9] =	ssyncadd.s32 $0xFFFFFF80;
	(pc) =	sbr.rel @p1 .LBB2_4-.Ltmp1, $3  }
0x7c: {  	[spmem:s1] =	stream.indirect.scatter.add.f32 [tilespmem:s18], [sflag:$0x1], $0x1, s17, s12, $0xb8;
	[tilespmem:$0x32A0] =	vst v63  }
0x7d: {  	s16 =	sadd.s32 $0x200, s16;
	_ =	sdelay $0x1  }
0x7e: {  	_ =	swait.ge [sflag:s9], $0x80  }
0x7f: {  	[sflag:s9] =	ssyncset.done $0x0  }
0x80: {  	[sflag:s9] =	ssyncadd.s32 $0xFFFFFF80  }
0x81: {  	s16 =	simm.s32 @!p0 $0x1;
	[bflag:$0x0] =	sbarrier.arrive $0xFFFF  }
0x82: {  	[hbm4b:s6+s2] =	stream.linear.scatter [tilespmem:s13], [sflag:$0x1], $0xC80, $0x38;
	[tilespmem:$0x32A0] =	vst v63  }
0x83: {  	s17 =	simm.s32 @!p0 $0x20;
	s15 =	sadd.s32 $0x1, s15;
	_ =	swait.ge [sflag:s9], $0xC80  }
0x84: {  	s18 =	simm.s32 @!p0 $0x10;
	p1 =	sne.s32 s15, s8;
	[sflag:s9] =	ssyncset.done $0x0  }
.Ltmp2:
0x85: {  	s19 =	simm.s32 @!p0 $0x1C01;
	[sflag:s9] =	ssyncadd.s32 $0xFFFFF380;
	(pc) =	sbr.rel @p1 .LBB2_1-.Ltmp2, $4  }
0x86: {  	[hbm:s7@s17], [sflag:s19] =	dma.strided @!p0 [spmem:s14@s18], $0x40, s16, $0x10   }
0x87: {  	_ =	swait.ge @!p0 [sflag:s16], $0x40  }
0x88: {  	[sflag:s16] =	ssyncset.done @!p0 $0x0  }
0x89: {  	[sflag:s16] =	ssyncadd.s32 @!p0 $0xFFFFFFC0  }
0x8a: {  	_ =	sfence.sel $0x180000  }
0x8b: {  	[bflag:$0x0] =	sbarrier.arrive $0xFFFF  }
0x8c: {  	_ =	strace $0x90000047  }
0x8d: {  	s0 =	sadd.s32 @!p0 $0x100000, s0;
	[bflag:$0x2] =	sbarrier.arrive $0xFFFF  }
0x8e: {  	[sflag:s0] =	ssyncadd.tile.s32 @!p0 $0x1;
	_ =	shalt  }
.Lfunc_end2:
_tile_overlayer_lowered:
.L_overlay_start_2:
0x8f: {  	(tag) =	ssettag $0x2  }
0x90: {  	s0 =	rddreg [dreg:$0x0];
	s2 =	stileid.u32  }
0x91: {  	s1 =	rddreg [dreg:$0x1];
	p0 =	sne.s32 s2, $0x0  }
0x92: {  	s3 =	rddreg [dreg:$0x2];
	[bflag:$0x3] =	sbarrier.arrive $0xFFFF;
	s2 =	simm.s32 @!p0 $0x1C01  }
0x93: {  	[timem:s3], [sflag:s2] =	dma.local @!p0 [hbm:s0], s1  }
0x94: {  	s0 =	simm.s32 @!p0 $0x1  }
0x95: {  	_ =	swait.ge @!p0 [sflag:s0], s1  }
0x96: {  	s1 =	ssub.s32 @!p0 $0x0, s1;
	[sflag:s0] =	ssyncset.done @!p0 $0x0  }
0x97: {  	[sflag:s0] =	ssyncadd.s32 @!p0 s1  }
0x98: {  	[bflag:$0x3] =	sbarrier.arrive $0xFFFF  }
0x99: {  	_ =	shalt  }

</sc_bundles>
